<compile_context>
chip_gen: v7x
topology: tpu7x:2x2x1
jax: 0.10.2.dev20260603
libtpu: 0.0.44.dev20260713+nightly
codegen_flags: <defaults>
</compile_context>

<pallas_src>
import functools

import jax
import jax.numpy as jnp
from jax import lax
from jax.experimental import pallas as pl
from jax.experimental.pallas import tpu as pltpu
from jax.experimental.pallas import tpu_sc as plsc

N = 10000
C = 128
E = 320000
EPS = 1e-5

NC = 2
NS = 16
NW = NC * NS
CHUNK = 128
NCH = 80
HALF = NCH // 2
E_PAD = NW * NCH * CHUNK
EPW = E_PAD // NW
N_PAD = 10240
ROWS_T = N_PAD // NS
DW = 128


def _mesh():
    return plsc.VectorSubcoreMesh(
        core_axis_name="c", subcore_axis_name="s", num_cores=NC, num_subcores=NS
    )


def _deg_body(dst_hbm, ones_hbm, zeros_hbm, out_hbm, didx_all,
              ones_v, deg_sh, ssem0, ssem1):
    c = lax.axis_index("c")
    s = lax.axis_index("s")
    w = c * NS + s
    r0 = s * ROWS_T
    pltpu.sync_copy(ones_hbm, ones_v)
    pltpu.sync_copy(dst_hbm.at[pl.ds(w * NCH, NCH)], didx_all)
    pltpu.sync_copy(zeros_hbm, deg_sh.at[pl.ds(r0, ROWS_T)])
    plsc.subcore_barrier()

    def step(k, carry):
        i = 2 * k

        @pl.when(k > 0)
        def _():
            pltpu.make_async_copy(ones_v, deg_sh.at[didx_all.at[i - 2]], ssem0).wait()
            pltpu.make_async_copy(ones_v, deg_sh.at[didx_all.at[i - 1]], ssem1).wait()

        pltpu.async_copy(ones_v, deg_sh.at[didx_all.at[i]], ssem0, add=True)
        pltpu.async_copy(ones_v, deg_sh.at[didx_all.at[i + 1]], ssem1, add=True)
        return carry

    lax.fori_loop(0, NCH // 2, step, 0)
    pltpu.make_async_copy(ones_v, deg_sh.at[didx_all.at[0]], ssem0).wait()
    pltpu.make_async_copy(ones_v, deg_sh.at[didx_all.at[1]], ssem1).wait()
    plsc.subcore_barrier()
    pltpu.sync_copy(deg_sh.at[pl.ds(r0, ROWS_T)], out_hbm.at[pl.ds(c * N_PAD + r0, ROWS_T)])


def _deg_call(dst2d, ones, zeros):
    return pl.kernel(
        _deg_body,
        out_type=jax.ShapeDtypeStruct((NC * N_PAD, DW), jnp.float32),
        mesh=_mesh(),
        scratch_types=[
            pltpu.VMEM((NCH, CHUNK), jnp.int32),
            pltpu.VMEM((CHUNK, DW), jnp.float32),
            pltpu.VMEM_SHARED((N_PAD, DW), jnp.float32),
            pltpu.SemaphoreType.DMA,
            pltpu.SemaphoreType.DMA,
        ],
    )(dst2d, ones, zeros)


def _msg_body(h2_hbm, src2d_hbm, dst2d_hbm, out_hbm, sidx_h, didx_h,
              rows0, rows1, acc_sh, gsem0, gsem1, ssem0, ssem1):
    c = lax.axis_index("c")
    s = lax.axis_index("s")
    w = c * NS + s
    r0 = s * ROWS_T
    pltpu.sync_copy(h2_hbm.at[pl.ds(r0, ROWS_T)], acc_sh.at[pl.ds(r0, ROWS_T)])
    plsc.subcore_barrier()

    for h in range(2):
        base_row = w * NCH + h * HALF
        pltpu.sync_copy(src2d_hbm.at[pl.ds(base_row, HALF)], sidx_h)
        pltpu.sync_copy(dst2d_hbm.at[pl.ds(base_row, HALF)], didx_h)

        pltpu.async_copy(h2_hbm.at[sidx_h.at[0]], rows0, gsem0)

        def step(k, carry):
            i = 2 * k

            @pl.when(i > 0)
            def _():
                pltpu.make_async_copy(rows1, acc_sh.at[didx_h.at[i - 1]], ssem1).wait()

            g1 = pltpu.async_copy(h2_hbm.at[sidx_h.at[i + 1]], rows1, gsem1)

            pltpu.make_async_copy(h2_hbm.at[sidx_h.at[i]], rows0, gsem0).wait()
            s0 = pltpu.async_copy(rows0, acc_sh.at[didx_h.at[i]], ssem0, add=True)

            @pl.when(i + 2 < HALF)
            def _():
                s0.wait()
                pltpu.async_copy(h2_hbm.at[sidx_h.at[i + 2]], rows0, gsem0)

            g1.wait()
            pltpu.async_copy(rows1, acc_sh.at[didx_h.at[i + 1]], ssem1, add=True)
            return carry

        lax.fori_loop(0, HALF // 2, step, 0)
        pltpu.make_async_copy(rows0, acc_sh.at[didx_h.at[0]], ssem0).wait()
        pltpu.make_async_copy(rows1, acc_sh.at[didx_h.at[1]], ssem1).wait()

    plsc.subcore_barrier()
    pltpu.sync_copy(acc_sh.at[pl.ds(r0, ROWS_T)], out_hbm.at[pl.ds(c * N_PAD + r0, ROWS_T)])


def _msg_call(h2, src2d, dst2d):
    return pl.kernel(
        _msg_body,
        out_type=jax.ShapeDtypeStruct((NC * N_PAD, C), jnp.float32),
        mesh=_mesh(),
        scratch_types=[
            pltpu.VMEM((HALF, CHUNK), jnp.int32),
            pltpu.VMEM((HALF, CHUNK), jnp.int32),
            pltpu.VMEM((CHUNK, C), jnp.float32),
            pltpu.VMEM((CHUNK, C), jnp.float32),
            pltpu.VMEM_SHARED((N_PAD, C), jnp.float32),
            pltpu.SemaphoreType.DMA,
            pltpu.SemaphoreType.DMA,
            pltpu.SemaphoreType.DMA,
            pltpu.SemaphoreType.DMA,
        ],
    )(h2, src2d, dst2d)


def _mm_body(x_ref, g0_ref, b0_ref, w_ref, h_ref):
    x = x_ref[...]
    mean = jnp.mean(x, axis=0, keepdims=True)
    xc = x - mean
    var = jnp.mean(xc * xc, axis=0, keepdims=True)
    xn = xc * lax.rsqrt(var + EPS) * g0_ref[...] + b0_ref[...]
    h_ref[:N, :] = jnp.dot(xn, w_ref[...], preferred_element_type=jnp.float32)
    h_ref[N:, :] = jnp.zeros((N_PAD - N, C), jnp.float32)


def _mm_call(x, g0, b0, W):
    return pl.pallas_call(
        _mm_body,
        out_shape=jax.ShapeDtypeStruct((N_PAD, C), jnp.float32),
    )(x, g0, b0, W)


def _scale_body(h_ref, degp_ref, h2_ref):
    degp = degp_ref[...]
    deg = 1.0 + degp[:N_PAD, 0:1] + degp[N_PAD:, 0:1]
    h2_ref[...] = h_ref[...] * lax.rsqrt(deg)


def _scale_call(h, degp):
    return pl.pallas_call(
        _scale_body,
        out_shape=jax.ShapeDtypeStruct((N_PAD, C), jnp.float32),
    )(h, degp)


def _finish_body(acc_ref, h2_ref, degp_ref, b_ref, g1_ref, b1_ref, y_ref):
    degp = degp_ref[...].astype(jnp.float32)
    deg = 1.0 + degp[:N, 0:1] + degp[N_PAD:N_PAD + N, 0:1]
    acc = acc_ref[:N, :] + acc_ref[N_PAD:N_PAD + N, :]
    pre = (acc - h2_ref[:N, :]) * lax.rsqrt(deg) + b_ref[...]
    r = jnp.maximum(pre, 0.0)
    mean = jnp.mean(r, axis=0, keepdims=True)
    rc = r - mean
    var = jnp.mean(rc * rc, axis=0, keepdims=True)
    y_ref[...] = rc * lax.rsqrt(var + EPS) * g1_ref[...] + b1_ref[...]


def _finish_call(accp, h2, degp, b, g1, b1):
    return pl.pallas_call(
        _finish_body,
        out_shape=jax.ShapeDtypeStruct((N, C), jnp.float32),
    )(accp, h2, degp, b, g1, b1)


@jax.jit
def kernel(x, edge_index, bn0_gamma, bn0_beta, W, b, bn1_gamma, bn1_beta):
    ei = edge_index.astype(jnp.int32)
    pad = E_PAD - E
    pad_src = (jnp.arange(pad, dtype=jnp.int32) * 131) % N
    pad_dst = N + (jnp.arange(pad, dtype=jnp.int32) % (N_PAD - N))
    src2d = jnp.concatenate([ei[0], pad_src]).reshape(-1, CHUNK)
    dst2d = jnp.concatenate([ei[1], pad_dst]).reshape(-1, CHUNK)

    ones = jnp.ones((CHUNK, DW), jnp.float32)
    zeros = jnp.zeros((ROWS_T, DW), jnp.float32)

    degp = _deg_call(dst2d, ones, zeros)
    h = _mm_call(
        x, bn0_gamma.reshape(1, C), bn0_beta.reshape(1, C), W
    )
    h2 = _scale_call(h, degp)
    accp = _msg_call(h2, src2d, dst2d)
    y = _finish_call(
        accp, h2, degp, b.reshape(1, C),
        bn1_gamma.reshape(1, C), bn1_beta.reshape(1, C),
    )
    return y

# --- scband reference (transcript-rebuilt; emitter-appended) ---
"""Pipeline reference for scband-graph-net1-16080357556242 (READ-ONLY COPY).

The authoritative reference and input builder live on the scoring server;
editing this copy changes nothing except your own understanding.
"""

import jax, jax.numpy as jnp
import numpy as np

N_NODES = 10000
N_EDGES = 320000
C_IN = 128
HIDDEN = 128
EPS = 1e-5


def setup_inputs(seed: int = 0) -> dict:
    key = jax.random.key(seed)
    k1, k2, k3, k4 = jax.random.split(key, 4)
    x = jax.random.normal(k1, (N_NODES, C_IN), dtype=jnp.float32)
    edge_index = jax.random.randint(k2, (2, N_EDGES), 0, N_NODES, dtype=jnp.int64)
    # BatchNorm 0 params (affine)
    bn0_gamma = jnp.ones((C_IN,), dtype=jnp.float32)
    bn0_beta = jnp.zeros((C_IN,), dtype=jnp.float32)
    # GCNConv linear weight [in, out] (Glorot) and bias
    limit = float(np.sqrt(6.0 / (C_IN + HIDDEN)))
    W = jax.random.uniform(k3, (C_IN, HIDDEN), dtype=jnp.float32, minval=-limit, maxval=limit)
    b = jnp.zeros((HIDDEN,), dtype=jnp.float32)
    # BatchNorm 1 params
    bn1_gamma = jnp.ones((HIDDEN,), dtype=jnp.float32)
    bn1_beta = jnp.zeros((HIDDEN,), dtype=jnp.float32)
    return {
        "x": x,
        "edge_index": edge_index,
        "bn0_gamma": bn0_gamma,
        "bn0_beta": bn0_beta,
        "W": W,
        "b": b,
        "bn1_gamma": bn1_gamma,
        "bn1_beta": bn1_beta,
    }


def _batch_norm(x, gamma, beta):
    mean = jnp.mean(x, axis=0)
    var = jnp.var(x, axis=0)  # biased, as torch uses for normalization
    return (x - mean) / jnp.sqrt(var + EPS) * gamma + beta


def _gcn_conv(x, edge_index, W, b):
    n = x.shape[0]
    # add self-loops (GCNConv default)
    loop = jnp.arange(n, dtype=edge_index.dtype)
    src = jnp.concatenate([edge_index[0], loop])
    dst = jnp.concatenate([edge_index[1], loop])
    # linear transform
    h = x @ W
    # symmetric normalization: deg computed at dst with unit edge weights
    ones = jnp.ones(src.shape[0], dtype=x.dtype)
    deg = jax.ops.segment_sum(ones, dst, num_segments=n)
    deg_inv_sqrt = jnp.where(deg > 0, 1.0 / jnp.sqrt(deg), 0.0)
    norm = deg_inv_sqrt[src] * deg_inv_sqrt[dst]
    # message passing: gather from src, scale, scatter-add to dst
    msg = h[src] * norm[:, None]
    out = jax.ops.segment_sum(msg, dst, num_segments=n)
    return out + b


def reference(x, edge_index, bn0_gamma, bn0_beta, W, b, bn1_gamma, bn1_beta):
    x_norm = _batch_norm(x, bn0_gamma, bn0_beta)
    h = _gcn_conv(x_norm, edge_index, W, b)
    h = jax.nn.relu(h)
    h = _batch_norm(h, bn1_gamma, bn1_beta)
    return h

if __name__ == "__main__":
    import jax
    _d = setup_inputs()
    print(jax.jit(kernel)(*tuple(_d.values())))

</pallas_src>

<mosaic_0001>
#map = affine_map<(d0, d1) -> (0, 0)>
module attributes {stable_mosaic.version = 14 : i64} {
  func.func @_msg_body(%arg0: i32, %arg1: i32, %arg2: memref<10240x128xf32, #tpu.memory_space<hbm>>, %arg3: memref<2560x128xi32, #tpu.memory_space<hbm>>, %arg4: memref<2560x128xi32, #tpu.memory_space<hbm>>, %arg5: memref<20480x128xf32, #tpu.memory_space<hbm>>, %arg6: memref<40x128xi32, #tpu.memory_space<vmem>>, %arg7: memref<40x128xi32, #tpu.memory_space<vmem>>, %arg8: memref<128x128xf32, #tpu.memory_space<vmem>>, %arg9: memref<128x128xf32, #tpu.memory_space<vmem>>, %arg10: memref<10240x128xf32, #tpu.memory_space<vmem_shared>>, %arg11: memref<!tpu.dma_semaphore, #tpu.memory_space<semaphore_mem>>, %arg12: memref<!tpu.dma_semaphore, #tpu.memory_space<semaphore_mem>>, %arg13: memref<!tpu.dma_semaphore, #tpu.memory_space<semaphore_mem>>, %arg14: memref<!tpu.dma_semaphore, #tpu.memory_space<semaphore_mem>>) attributes {dimension_semantics = [#tpu.dimension_semantics<core_parallel>, #tpu.dimension_semantics<subcore_parallel>], iteration_bounds = array<i64: 2, 16>, scalar_prefetch = 0 : i64, scratch_operands = 9 : i64, tpu.core_type = #tpu.core_type<sc_vector_subcore>, window_params = [{transform_indices = #map}, {transform_indices = #map}, {transform_indices = #map}, {transform_indices = #map}]} {
    %mul3A = arith.constant 16 : i32
    %mul3A_0 = arith.muli %arg0, %mul3A : i32
    %add3A = arith.addi %mul3A_0, %arg1 : i32
    %mul3A_1 = arith.constant 640 : i32
    %mul3A_2 = arith.muli %arg1, %mul3A_1 : i32
    "tpu.region"() ({
      %run_scoped3A = tpu.sem_alloc : memref<!tpu.dma_semaphore, #tpu.memory_space<semaphore_mem>>
      %dma_start3A_66 = arith.constant 0 : i32
      %dma_start3A_67 = tpu.memref_slice %arg10[%mul3A_2, %dma_start3A_66] : memref<10240x128xf32, #tpu.memory_space<vmem_shared>> -> memref<640x128xf32, #tpu.memory_space<vmem_shared>>
      %dma_start3A_68 = arith.constant 0 : i32
      %dma_start3A_69 = tpu.memref_slice %arg2[%mul3A_2, %dma_start3A_68] : memref<10240x128xf32, #tpu.memory_space<hbm>> -> memref<640x128xf32, #tpu.memory_space<hbm>>
      tpu.enqueue_dma source(%dma_start3A_69 : memref<640x128xf32, #tpu.memory_space<hbm>>) target(%dma_start3A_67 : memref<640x128xf32, #tpu.memory_space<vmem_shared>>) target_semaphore(%run_scoped3A : memref<!tpu.dma_semaphore, #tpu.memory_space<semaphore_mem>>)
      %dma_wait3A_70 = arith.constant 0 : i32
      %dma_wait3A_71 = tpu.memref_slice %arg10[%mul3A_2, %dma_wait3A_70] : memref<10240x128xf32, #tpu.memory_space<vmem_shared>> -> memref<640x128xf32, #tpu.memory_space<vmem_shared>>
      %dma_wait3A_72 = arith.constant 0 : i32
      %dma_wait3A_73 = tpu.memref_slice %arg2[%mul3A_2, %dma_wait3A_72] : memref<10240x128xf32, #tpu.memory_space<hbm>> -> memref<640x128xf32, #tpu.memory_space<hbm>>
      tpu.wait_dma2 semaphore(%run_scoped3A : memref<!tpu.dma_semaphore, #tpu.memory_space<semaphore_mem>>) src(%dma_wait3A_73 : memref<640x128xf32, #tpu.memory_space<hbm>>) dst(%dma_wait3A_71 : memref<640x128xf32, #tpu.memory_space<vmem_shared>>)
      tpu.yield
    }) : () -> ()
    %barrier3A = arith.constant 0 : index
    tpu.barrier barrier_id(%barrier3A)
    %mul3A_3 = arith.constant 80 : i32
    %mul3A_4 = arith.muli %add3A, %mul3A_3 : i32
    %add3A_5 = arith.constant 0 : i32
    %add3A_6 = arith.addi %mul3A_4, %add3A_5 : i32
    "tpu.region"() ({
      %run_scoped3A = tpu.sem_alloc : memref<!tpu.dma_semaphore, #tpu.memory_space<semaphore_mem>>
      %dma_start3A_66 = arith.constant 0 : i32
      %dma_start3A_67 = tpu.memref_slice %arg3[%add3A_6, %dma_start3A_66] : memref<2560x128xi32, #tpu.memory_space<hbm>> -> memref<40x128xi32, #tpu.memory_space<hbm>>
      %dma_start3A_68 = arith.constant 0 : i32
      %dma_start3A_69 = tpu.memref_slice %arg3[%add3A_6, %dma_start3A_68] : memref<2560x128xi32, #tpu.memory_space<hbm>> -> memref<40x128xi32, #tpu.memory_space<hbm>>
      tpu.enqueue_dma source(%dma_start3A_69 : memref<40x128xi32, #tpu.memory_space<hbm>>) target(%arg6 : memref<40x128xi32, #tpu.memory_space<vmem>>) target_semaphore(%run_scoped3A : memref<!tpu.dma_semaphore, #tpu.memory_space<semaphore_mem>>)
      %dma_wait3A_70 = arith.constant 0 : i32
      %dma_wait3A_71 = tpu.memref_slice %arg3[%add3A_6, %dma_wait3A_70] : memref<2560x128xi32, #tpu.memory_space<hbm>> -> memref<40x128xi32, #tpu.memory_space<hbm>>
      %dma_wait3A_72 = arith.constant 0 : i32
      %dma_wait3A_73 = tpu.memref_slice %arg3[%add3A_6, %dma_wait3A_72] : memref<2560x128xi32, #tpu.memory_space<hbm>> -> memref<40x128xi32, #tpu.memory_space<hbm>>
      tpu.wait_dma2 semaphore(%run_scoped3A : memref<!tpu.dma_semaphore, #tpu.memory_space<semaphore_mem>>) src(%dma_wait3A_73 : memref<40x128xi32, #tpu.memory_space<hbm>>) dst(%arg6 : memref<40x128xi32, #tpu.memory_space<vmem>>)
      tpu.yield
    }) : () -> ()
    "tpu.region"() ({
      %run_scoped3A = tpu.sem_alloc : memref<!tpu.dma_semaphore, #tpu.memory_space<semaphore_mem>>
      %dma_start3A_66 = arith.constant 0 : i32
      %dma_start3A_67 = tpu.memref_slice %arg4[%add3A_6, %dma_start3A_66] : memref<2560x128xi32, #tpu.memory_space<hbm>> -> memref<40x128xi32, #tpu.memory_space<hbm>>
      %dma_start3A_68 = arith.constant 0 : i32
      %dma_start3A_69 = tpu.memref_slice %arg4[%add3A_6, %dma_start3A_68] : memref<2560x128xi32, #tpu.memory_space<hbm>> -> memref<40x128xi32, #tpu.memory_space<hbm>>
      tpu.enqueue_dma source(%dma_start3A_69 : memref<40x128xi32, #tpu.memory_space<hbm>>) target(%arg7 : memref<40x128xi32, #tpu.memory_space<vmem>>) target_semaphore(%run_scoped3A : memref<!tpu.dma_semaphore, #tpu.memory_space<semaphore_mem>>)
      %dma_wait3A_70 = arith.constant 0 : i32
      %dma_wait3A_71 = tpu.memref_slice %arg4[%add3A_6, %dma_wait3A_70] : memref<2560x128xi32, #tpu.memory_space<hbm>> -> memref<40x128xi32, #tpu.memory_space<hbm>>
      %dma_wait3A_72 = arith.constant 0 : i32
      %dma_wait3A_73 = tpu.memref_slice %arg4[%add3A_6, %dma_wait3A_72] : memref<2560x128xi32, #tpu.memory_space<hbm>> -> memref<40x128xi32, #tpu.memory_space<hbm>>
      tpu.wait_dma2 semaphore(%run_scoped3A : memref<!tpu.dma_semaphore, #tpu.memory_space<semaphore_mem>>) src(%dma_wait3A_73 : memref<40x128xi32, #tpu.memory_space<hbm>>) dst(%arg7 : memref<40x128xi32, #tpu.memory_space<vmem>>)
      tpu.yield
    }) : () -> ()
    %dma_start3A = arith.constant 0 : i32
    %dma_start3A_7 = arith.constant 0 : i32
    %dma_start3A_8 = tpu.memref_slice %arg6[%dma_start3A, %dma_start3A_7] : memref<40x128xi32, #tpu.memory_space<vmem>> -> memref<1x128xi32, #tpu.memory_space<vmem>>
    %dma_start3A_9 = tpu.memref_squeeze %dma_start3A_8 : memref<1x128xi32, #tpu.memory_space<vmem>> -> memref<128xi32, #tpu.memory_space<vmem>>
    %dma_start3A_10 = arith.constant 0 : i32
    %dma_start3A_11 = arith.constant 0 : i32
    %dma_start3A_12 = tpu.memref_slice %arg2[%dma_start3A_10, %dma_start3A_11] : memref<10240x128xf32, #tpu.memory_space<hbm>> -> memref<10240x128xf32, #tpu.memory_space<hbm>>
    tpu.enqueue_indirect_dma source(%dma_start3A_12 : memref<10240x128xf32, #tpu.memory_space<hbm>>) target(%arg8 : memref<128x128xf32, #tpu.memory_space<vmem>>) offsets(%dma_start3A_9 : memref<128xi32, #tpu.memory_space<vmem>>) semaphore(%arg11 : memref<!tpu.dma_semaphore, #tpu.memory_space<semaphore_mem>>)
    %scan3A = arith.constant 0 : i32
    %scan3A_13 = arith.constant 0 : i32
    %scan3A_14 = arith.constant 20 : i32
    %scan3A_15 = arith.addi %scan3A_13, %scan3A_14 : i32
    %scan3A_16 = arith.constant 1 : i32
    scf.for %scan3A_66 = %scan3A_13 to %scan3A_15 step %scan3A_16  : i32 {
      %mul3A_67 = arith.constant 2 : i32
      %mul3A_68 = arith.muli %mul3A_67, %scan3A_66 : i32
      %gt3A = arith.constant 0 : i32
      %gt3A_69 = arith.cmpi sgt, %mul3A_68, %gt3A : i32
      %convert_element_type3A = arith.extui %gt3A_69 : i1 to i32
      %cond3A = arith.constant 0 : i32
      %cond3A_70 = arith.cmpi ne, %convert_element_type3A, %cond3A : i32
      scf.if %cond3A_70 {
        %sub3A = arith.constant 1 : i32
        %sub3A_111 = arith.subi %mul3A_68, %sub3A : i32
        %dma_wait3A_112 = arith.constant 0 : i32
        %dma_wait3A_113 = tpu.memref_slice %arg7[%sub3A_111, %dma_wait3A_112] : memref<40x128xi32, #tpu.memory_space<vmem>> -> memref<1x128xi32, #tpu.memory_space<vmem>>
        %dma_wait3A_114 = tpu.memref_squeeze %dma_wait3A_113 : memref<1x128xi32, #tpu.memory_space<vmem>> -> memref<128xi32, #tpu.memory_space<vmem>>
        %dma_wait3A_115 = arith.constant 0 : i32
        %dma_wait3A_116 = arith.constant 0 : i32
        %dma_wait3A_117 = tpu.memref_slice %arg10[%dma_wait3A_115, %dma_wait3A_116] : memref<10240x128xf32, #tpu.memory_space<vmem_shared>> -> memref<10240x128xf32, #tpu.memory_space<vmem_shared>>
        tpu.wait_indirect_dma semaphore(%arg14 : memref<!tpu.dma_semaphore, #tpu.memory_space<semaphore_mem>>) src(%arg9 : memref<128x128xf32, #tpu.memory_space<vmem>>) dst(%dma_wait3A_117 : memref<10240x128xf32, #tpu.memory_space<vmem_shared>>)
      } else {
      }
      %add3A_71 = arith.constant 1 : i32
      %add3A_72 = arith.addi %mul3A_68, %add3A_71 : i32
      %dma_start3A_73 = arith.constant 0 : i32
      %dma_start3A_74 = tpu.memref_slice %arg6[%add3A_72, %dma_start3A_73] : memref<40x128xi32, #tpu.memory_space<vmem>> -> memref<1x128xi32, #tpu.memory_space<vmem>>
      %dma_start3A_75 = tpu.memref_squeeze %dma_start3A_74 : memref<1x128xi32, #tpu.memory_space<vmem>> -> memref<128xi32, #tpu.memory_space<vmem>>
      %dma_start3A_76 = arith.constant 0 : i32
      %dma_start3A_77 = arith.constant 0 : i32
      %dma_start3A_78 = tpu.memref_slice %arg2[%dma_start3A_76, %dma_start3A_77] : memref<10240x128xf32, #tpu.memory_space<hbm>> -> memref<10240x128xf32, #tpu.memory_space<hbm>>
      tpu.enqueue_indirect_dma source(%dma_start3A_78 : memref<10240x128xf32, #tpu.memory_space<hbm>>) target(%arg9 : memref<128x128xf32, #tpu.memory_space<vmem>>) offsets(%dma_start3A_75 : memref<128xi32, #tpu.memory_space<vmem>>) semaphore(%arg12 : memref<!tpu.dma_semaphore, #tpu.memory_space<semaphore_mem>>)
      %dma_wait3A_79 = arith.constant 0 : i32
      %dma_wait3A_80 = tpu.memref_slice %arg6[%mul3A_68, %dma_wait3A_79] : memref<40x128xi32, #tpu.memory_space<vmem>> -> memref<1x128xi32, #tpu.memory_space<vmem>>
      %dma_wait3A_81 = tpu.memref_squeeze %dma_wait3A_80 : memref<1x128xi32, #tpu.memory_space<vmem>> -> memref<128xi32, #tpu.memory_space<vmem>>
      %dma_wait3A_82 = arith.constant 0 : i32
      %dma_wait3A_83 = arith.constant 0 : i32
      %dma_wait3A_84 = tpu.memref_slice %arg2[%dma_wait3A_82, %dma_wait3A_83] : memref<10240x128xf32, #tpu.memory_space<hbm>> -> memref<10240x128xf32, #tpu.memory_space<hbm>>
      tpu.wait_indirect_dma semaphore(%arg11 : memref<!tpu.dma_semaphore, #tpu.memory_space<semaphore_mem>>) src(%dma_wait3A_84 : memref<10240x128xf32, #tpu.memory_space<hbm>>) dst(%arg8 : memref<128x128xf32, #tpu.memory_space<vmem>>)
      %dma_start3A_85 = arith.constant 0 : i32
      %dma_start3A_86 = tpu.memref_slice %arg7[%mul3A_68, %dma_start3A_85] : memref<40x128xi32, #tpu.memory_space<vmem>> -> memref<1x128xi32, #tpu.memory_space<vmem>>
      %dma_start3A_87 = tpu.memref_squeeze %dma_start3A_86 : memref<1x128xi32, #tpu.memory_space<vmem>> -> memref<128xi32, #tpu.memory_space<vmem>>
      %dma_start3A_88 = arith.constant 0 : i32
      %dma_start3A_89 = arith.constant 0 : i32
      %dma_start3A_90 = tpu.memref_slice %arg10[%dma_start3A_88, %dma_start3A_89] : memref<10240x128xf32, #tpu.memory_space<vmem_shared>> -> memref<10240x128xf32, #tpu.memory_space<vmem_shared>>
      tpu.enqueue_indirect_dma source(%arg8 : memref<128x128xf32, #tpu.memory_space<vmem>>) target(%dma_start3A_90 : memref<10240x128xf32, #tpu.memory_space<vmem_shared>>) offsets(%dma_start3A_87 : memref<128xi32, #tpu.memory_space<vmem>>) semaphore(%arg13 : memref<!tpu.dma_semaphore, #tpu.memory_space<semaphore_mem>>) {add = true}
      %add3A_91 = arith.constant 2 : i32
      %add3A_92 = arith.addi %mul3A_68, %add3A_91 : i32
      %lt3A = arith.constant 40 : i32
      %lt3A_93 = arith.cmpi slt, %add3A_92, %lt3A : i32
      %convert_element_type3A_94 = arith.extui %lt3A_93 : i1 to i32
      %cond3A_95 = arith.constant 0 : i32
      %cond3A_96 = arith.cmpi ne, %convert_element_type3A_94, %cond3A_95 : i32
      scf.if %cond3A_96 {
        %dma_wait3A_111 = arith.constant 0 : i32
        %dma_wait3A_112 = tpu.memref_slice %arg7[%mul3A_68, %dma_wait3A_111] : memref<40x128xi32, #tpu.memory_space<vmem>> -> memref<1x128xi32, #tpu.memory_space<vmem>>
        %dma_wait3A_113 = tpu.memref_squeeze %dma_wait3A_112 : memref<1x128xi32, #tpu.memory_space<vmem>> -> memref<128xi32, #tpu.memory_space<vmem>>
        %dma_wait3A_114 = arith.constant 0 : i32
        %dma_wait3A_115 = arith.constant 0 : i32
        %dma_wait3A_116 = tpu.memref_slice %arg10[%dma_wait3A_114, %dma_wait3A_115] : memref<10240x128xf32, #tpu.memory_space<vmem_shared>> -> memref<10240x128xf32, #tpu.memory_space<vmem_shared>>
        tpu.wait_indirect_dma semaphore(%arg13 : memref<!tpu.dma_semaphore, #tpu.memory_space<semaphore_mem>>) src(%arg8 : memref<128x128xf32, #tpu.memory_space<vmem>>) dst(%dma_wait3A_116 : memref<10240x128xf32, #tpu.memory_space<vmem_shared>>)
        %add3A_117 = arith.constant 2 : i32
        %add3A_118 = arith.addi %mul3A_68, %add3A_117 : i32
        %dma_start3A_119 = arith.constant 0 : i32
        %dma_start3A_120 = tpu.memref_slice %arg6[%add3A_118, %dma_start3A_119] : memref<40x128xi32, #tpu.memory_space<vmem>> -> memref<1x128xi32, #tpu.memory_space<vmem>>
        %dma_start3A_121 = tpu.memref_squeeze %dma_start3A_120 : memref<1x128xi32, #tpu.memory_space<vmem>> -> memref<128xi32, #tpu.memory_space<vmem>>
        %dma_start3A_122 = arith.constant 0 : i32
        %dma_start3A_123 = arith.constant 0 : i32
        %dma_start3A_124 = tpu.memref_slice %arg2[%dma_start3A_122, %dma_start3A_123] : memref<10240x128xf32, #tpu.memory_space<hbm>> -> memref<10240x128xf32, #tpu.memory_space<hbm>>
        tpu.enqueue_indirect_dma source(%dma_start3A_124 : memref<10240x128xf32, #tpu.memory_space<hbm>>) target(%arg8 : memref<128x128xf32, #tpu.memory_space<vmem>>) offsets(%dma_start3A_121 : memref<128xi32, #tpu.memory_space<vmem>>) semaphore(%arg11 : memref<!tpu.dma_semaphore, #tpu.memory_space<semaphore_mem>>)
      } else {
      }
      %dma_wait3A_97 = arith.constant 0 : i32
      %dma_wait3A_98 = tpu.memref_slice %arg6[%add3A_72, %dma_wait3A_97] : memref<40x128xi32, #tpu.memory_space<vmem>> -> memref<1x128xi32, #tpu.memory_space<vmem>>
      %dma_wait3A_99 = tpu.memref_squeeze %dma_wait3A_98 : memref<1x128xi32, #tpu.memory_space<vmem>> -> memref<128xi32, #tpu.memory_space<vmem>>
      %dma_wait3A_100 = arith.constant 0 : i32
      %dma_wait3A_101 = arith.constant 0 : i32
      %dma_wait3A_102 = tpu.memref_slice %arg2[%dma_wait3A_100, %dma_wait3A_101] : memref<10240x128xf32, #tpu.memory_space<hbm>> -> memref<10240x128xf32, #tpu.memory_space<hbm>>
      tpu.wait_indirect_dma semaphore(%arg12 : memref<!tpu.dma_semaphore, #tpu.memory_space<semaphore_mem>>) src(%dma_wait3A_102 : memref<10240x128xf32, #tpu.memory_space<hbm>>) dst(%arg9 : memref<128x128xf32, #tpu.memory_space<vmem>>)
      %add3A_103 = arith.constant 1 : i32
      %add3A_104 = arith.addi %mul3A_68, %add3A_103 : i32
      %dma_start3A_105 = arith.constant 0 : i32
      %dma_start3A_106 = tpu.memref_slice %arg7[%add3A_104, %dma_start3A_105] : memref<40x128xi32, #tpu.memory_space<vmem>> -> memref<1x128xi32, #tpu.memory_space<vmem>>
      %dma_start3A_107 = tpu.memref_squeeze %dma_start3A_106 : memref<1x128xi32, #tpu.memory_space<vmem>> -> memref<128xi32, #tpu.memory_space<vmem>>
      %dma_start3A_108 = arith.constant 0 : i32
      %dma_start3A_109 = arith.constant 0 : i32
      %dma_start3A_110 = tpu.memref_slice %arg10[%dma_start3A_108, %dma_start3A_109] : memref<10240x128xf32, #tpu.memory_space<vmem_shared>> -> memref<10240x128xf32, #tpu.memory_space<vmem_shared>>
      tpu.enqueue_indirect_dma source(%arg9 : memref<128x128xf32, #tpu.memory_space<vmem>>) target(%dma_start3A_110 : memref<10240x128xf32, #tpu.memory_space<vmem_shared>>) offsets(%dma_start3A_107 : memref<128xi32, #tpu.memory_space<vmem>>) semaphore(%arg14 : memref<!tpu.dma_semaphore, #tpu.memory_space<semaphore_mem>>) {add = true}
    }
    %scan3A_17 = arith.constant 20 : i32
    %dma_wait3A = arith.constant 0 : i32
    %dma_wait3A_18 = arith.constant 0 : i32
    %dma_wait3A_19 = tpu.memref_slice %arg7[%dma_wait3A, %dma_wait3A_18] : memref<40x128xi32, #tpu.memory_space<vmem>> -> memref<1x128xi32, #tpu.memory_space<vmem>>
    %dma_wait3A_20 = tpu.memref_squeeze %dma_wait3A_19 : memref<1x128xi32, #tpu.memory_space<vmem>> -> memref<128xi32, #tpu.memory_space<vmem>>
    %dma_wait3A_21 = arith.constant 0 : i32
    %dma_wait3A_22 = arith.constant 0 : i32
    %dma_wait3A_23 = tpu.memref_slice %arg10[%dma_wait3A_21, %dma_wait3A_22] : memref<10240x128xf32, #tpu.memory_space<vmem_shared>> -> memref<10240x128xf32, #tpu.memory_space<vmem_shared>>
    tpu.wait_indirect_dma semaphore(%arg13 : memref<!tpu.dma_semaphore, #tpu.memory_space<semaphore_mem>>) src(%arg8 : memref<128x128xf32, #tpu.memory_space<vmem>>) dst(%dma_wait3A_23 : memref<10240x128xf32, #tpu.memory_space<vmem_shared>>)
    %dma_wait3A_24 = arith.constant 1 : i32
    %dma_wait3A_25 = arith.constant 0 : i32
    %dma_wait3A_26 = tpu.memref_slice %arg7[%dma_wait3A_24, %dma_wait3A_25] : memref<40x128xi32, #tpu.memory_space<vmem>> -> memref<1x128xi32, #tpu.memory_space<vmem>>
    %dma_wait3A_27 = tpu.memref_squeeze %dma_wait3A_26 : memref<1x128xi32, #tpu.memory_space<vmem>> -> memref<128xi32, #tpu.memory_space<vmem>>
    %dma_wait3A_28 = arith.constant 0 : i32
    %dma_wait3A_29 = arith.constant 0 : i32
    %dma_wait3A_30 = tpu.memref_slice %arg10[%dma_wait3A_28, %dma_wait3A_29] : memref<10240x128xf32, #tpu.memory_space<vmem_shared>> -> memref<10240x128xf32, #tpu.memory_space<vmem_shared>>
    tpu.wait_indirect_dma semaphore(%arg14 : memref<!tpu.dma_semaphore, #tpu.memory_space<semaphore_mem>>) src(%arg9 : memref<128x128xf32, #tpu.memory_space<vmem>>) dst(%dma_wait3A_30 : memref<10240x128xf32, #tpu.memory_space<vmem_shared>>)
    %mul3A_31 = arith.constant 80 : i32
    %mul3A_32 = arith.muli %add3A, %mul3A_31 : i32
    %add3A_33 = arith.constant 40 : i32
    %add3A_34 = arith.addi %mul3A_32, %add3A_33 : i32
    "tpu.region"() ({
      %run_scoped3A = tpu.sem_alloc : memref<!tpu.dma_semaphore, #tpu.memory_space<semaphore_mem>>
      %dma_start3A_66 = arith.constant 0 : i32
      %dma_start3A_67 = tpu.memref_slice %arg3[%add3A_34, %dma_start3A_66] : memref<2560x128xi32, #tpu.memory_space<hbm>> -> memref<40x128xi32, #tpu.memory_space<hbm>>
      %dma_start3A_68 = arith.constant 0 : i32
      %dma_start3A_69 = tpu.memref_slice %arg3[%add3A_34, %dma_start3A_68] : memref<2560x128xi32, #tpu.memory_space<hbm>> -> memref<40x128xi32, #tpu.memory_space<hbm>>
      tpu.enqueue_dma source(%dma_start3A_69 : memref<40x128xi32, #tpu.memory_space<hbm>>) target(%arg6 : memref<40x128xi32, #tpu.memory_space<vmem>>) target_semaphore(%run_scoped3A : memref<!tpu.dma_semaphore, #tpu.memory_space<semaphore_mem>>)
      %dma_wait3A_70 = arith.constant 0 : i32
      %dma_wait3A_71 = tpu.memref_slice %arg3[%add3A_34, %dma_wait3A_70] : memref<2560x128xi32, #tpu.memory_space<hbm>> -> memref<40x128xi32, #tpu.memory_space<hbm>>
      %dma_wait3A_72 = arith.constant 0 : i32
      %dma_wait3A_73 = tpu.memref_slice %arg3[%add3A_34, %dma_wait3A_72] : memref<2560x128xi32, #tpu.memory_space<hbm>> -> memref<40x128xi32, #tpu.memory_space<hbm>>
      tpu.wait_dma2 semaphore(%run_scoped3A : memref<!tpu.dma_semaphore, #tpu.memory_space<semaphore_mem>>) src(%dma_wait3A_73 : memref<40x128xi32, #tpu.memory_space<hbm>>) dst(%arg6 : memref<40x128xi32, #tpu.memory_space<vmem>>)
      tpu.yield
    }) : () -> ()
    "tpu.region"() ({
      %run_scoped3A = tpu.sem_alloc : memref<!tpu.dma_semaphore, #tpu.memory_space<semaphore_mem>>
      %dma_start3A_66 = arith.constant 0 : i32
      %dma_start3A_67 = tpu.memref_slice %arg4[%add3A_34, %dma_start3A_66] : memref<2560x128xi32, #tpu.memory_space<hbm>> -> memref<40x128xi32, #tpu.memory_space<hbm>>
      %dma_start3A_68 = arith.constant 0 : i32
      %dma_start3A_69 = tpu.memref_slice %arg4[%add3A_34, %dma_start3A_68] : memref<2560x128xi32, #tpu.memory_space<hbm>> -> memref<40x128xi32, #tpu.memory_space<hbm>>
      tpu.enqueue_dma source(%dma_start3A_69 : memref<40x128xi32, #tpu.memory_space<hbm>>) target(%arg7 : memref<40x128xi32, #tpu.memory_space<vmem>>) target_semaphore(%run_scoped3A : memref<!tpu.dma_semaphore, #tpu.memory_space<semaphore_mem>>)
      %dma_wait3A_70 = arith.constant 0 : i32
      %dma_wait3A_71 = tpu.memref_slice %arg4[%add3A_34, %dma_wait3A_70] : memref<2560x128xi32, #tpu.memory_space<hbm>> -> memref<40x128xi32, #tpu.memory_space<hbm>>
      %dma_wait3A_72 = arith.constant 0 : i32
      %dma_wait3A_73 = tpu.memref_slice %arg4[%add3A_34, %dma_wait3A_72] : memref<2560x128xi32, #tpu.memory_space<hbm>> -> memref<40x128xi32, #tpu.memory_space<hbm>>
      tpu.wait_dma2 semaphore(%run_scoped3A : memref<!tpu.dma_semaphore, #tpu.memory_space<semaphore_mem>>) src(%dma_wait3A_73 : memref<40x128xi32, #tpu.memory_space<hbm>>) dst(%arg7 : memref<40x128xi32, #tpu.memory_space<vmem>>)
      tpu.yield
    }) : () -> ()
    %dma_start3A_35 = arith.constant 0 : i32
    %dma_start3A_36 = arith.constant 0 : i32
    %dma_start3A_37 = tpu.memref_slice %arg6[%dma_start3A_35, %dma_start3A_36] : memref<40x128xi32, #tpu.memory_space<vmem>> -> memref<1x128xi32, #tpu.memory_space<vmem>>
    %dma_start3A_38 = tpu.memref_squeeze %dma_start3A_37 : memref<1x128xi32, #tpu.memory_space<vmem>> -> memref<128xi32, #tpu.memory_space<vmem>>
    %dma_start3A_39 = arith.constant 0 : i32
    %dma_start3A_40 = arith.constant 0 : i32
    %dma_start3A_41 = tpu.memref_slice %arg2[%dma_start3A_39, %dma_start3A_40] : memref<10240x128xf32, #tpu.memory_space<hbm>> -> memref<10240x128xf32, #tpu.memory_space<hbm>>
    tpu.enqueue_indirect_dma source(%dma_start3A_41 : memref<10240x128xf32, #tpu.memory_space<hbm>>) target(%arg8 : memref<128x128xf32, #tpu.memory_space<vmem>>) offsets(%dma_start3A_38 : memref<128xi32, #tpu.memory_space<vmem>>) semaphore(%arg11 : memref<!tpu.dma_semaphore, #tpu.memory_space<semaphore_mem>>)
    %scan3A_42 = arith.constant 0 : i32
    %scan3A_43 = arith.constant 0 : i32
    %scan3A_44 = arith.constant 20 : i32
    %scan3A_45 = arith.addi %scan3A_43, %scan3A_44 : i32
    %scan3A_46 = arith.constant 1 : i32
    scf.for %scan3A_66 = %scan3A_43 to %scan3A_45 step %scan3A_46  : i32 {
      %mul3A_67 = arith.constant 2 : i32
      %mul3A_68 = arith.muli %mul3A_67, %scan3A_66 : i32
      %gt3A = arith.constant 0 : i32
      %gt3A_69 = arith.cmpi sgt, %mul3A_68, %gt3A : i32
      %convert_element_type3A = arith.extui %gt3A_69 : i1 to i32
      %cond3A = arith.constant 0 : i32
      %cond3A_70 = arith.cmpi ne, %convert_element_type3A, %cond3A : i32
      scf.if %cond3A_70 {
        %sub3A = arith.constant 1 : i32
        %sub3A_111 = arith.subi %mul3A_68, %sub3A : i32
        %dma_wait3A_112 = arith.constant 0 : i32
        %dma_wait3A_113 = tpu.memref_slice %arg7[%sub3A_111, %dma_wait3A_112] : memref<40x128xi32, #tpu.memory_space<vmem>> -> memref<1x128xi32, #tpu.memory_space<vmem>>
        %dma_wait3A_114 = tpu.memref_squeeze %dma_wait3A_113 : memref<1x128xi32, #tpu.memory_space<vmem>> -> memref<128xi32, #tpu.memory_space<vmem>>
        %dma_wait3A_115 = arith.constant 0 : i32
        %dma_wait3A_116 = arith.constant 0 : i32
        %dma_wait3A_117 = tpu.memref_slice %arg10[%dma_wait3A_115, %dma_wait3A_116] : memref<10240x128xf32, #tpu.memory_space<vmem_shared>> -> memref<10240x128xf32, #tpu.memory_space<vmem_shared>>
        tpu.wait_indirect_dma semaphore(%arg14 : memref<!tpu.dma_semaphore, #tpu.memory_space<semaphore_mem>>) src(%arg9 : memref<128x128xf32, #tpu.memory_space<vmem>>) dst(%dma_wait3A_117 : memref<10240x128xf32, #tpu.memory_space<vmem_shared>>)
      } else {
      }
      %add3A_71 = arith.constant 1 : i32
      %add3A_72 = arith.addi %mul3A_68, %add3A_71 : i32
      %dma_start3A_73 = arith.constant 0 : i32
      %dma_start3A_74 = tpu.memref_slice %arg6[%add3A_72, %dma_start3A_73] : memref<40x128xi32, #tpu.memory_space<vmem>> -> memref<1x128xi32, #tpu.memory_space<vmem>>
      %dma_start3A_75 = tpu.memref_squeeze %dma_start3A_74 : memref<1x128xi32, #tpu.memory_space<vmem>> -> memref<128xi32, #tpu.memory_space<vmem>>
      %dma_start3A_76 = arith.constant 0 : i32
      %dma_start3A_77 = arith.constant 0 : i32
      %dma_start3A_78 = tpu.memref_slice %arg2[%dma_start3A_76, %dma_start3A_77] : memref<10240x128xf32, #tpu.memory_space<hbm>> -> memref<10240x128xf32, #tpu.memory_space<hbm>>
      tpu.enqueue_indirect_dma source(%dma_start3A_78 : memref<10240x128xf32, #tpu.memory_space<hbm>>) target(%arg9 : memref<128x128xf32, #tpu.memory_space<vmem>>) offsets(%dma_start3A_75 : memref<128xi32, #tpu.memory_space<vmem>>) semaphore(%arg12 : memref<!tpu.dma_semaphore, #tpu.memory_space<semaphore_mem>>)
      %dma_wait3A_79 = arith.constant 0 : i32
      %dma_wait3A_80 = tpu.memref_slice %arg6[%mul3A_68, %dma_wait3A_79] : memref<40x128xi32, #tpu.memory_space<vmem>> -> memref<1x128xi32, #tpu.memory_space<vmem>>
      %dma_wait3A_81 = tpu.memref_squeeze %dma_wait3A_80 : memref<1x128xi32, #tpu.memory_space<vmem>> -> memref<128xi32, #tpu.memory_space<vmem>>
      %dma_wait3A_82 = arith.constant 0 : i32
      %dma_wait3A_83 = arith.constant 0 : i32
      %dma_wait3A_84 = tpu.memref_slice %arg2[%dma_wait3A_82, %dma_wait3A_83] : memref<10240x128xf32, #tpu.memory_space<hbm>> -> memref<10240x128xf32, #tpu.memory_space<hbm>>
      tpu.wait_indirect_dma semaphore(%arg11 : memref<!tpu.dma_semaphore, #tpu.memory_space<semaphore_mem>>) src(%dma_wait3A_84 : memref<10240x128xf32, #tpu.memory_space<hbm>>) dst(%arg8 : memref<128x128xf32, #tpu.memory_space<vmem>>)
      %dma_start3A_85 = arith.constant 0 : i32
      %dma_start3A_86 = tpu.memref_slice %arg7[%mul3A_68, %dma_start3A_85] : memref<40x128xi32, #tpu.memory_space<vmem>> -> memref<1x128xi32, #tpu.memory_space<vmem>>
      %dma_start3A_87 = tpu.memref_squeeze %dma_start3A_86 : memref<1x128xi32, #tpu.memory_space<vmem>> -> memref<128xi32, #tpu.memory_space<vmem>>
      %dma_start3A_88 = arith.constant 0 : i32
      %dma_start3A_89 = arith.constant 0 : i32
      %dma_start3A_90 = tpu.memref_slice %arg10[%dma_start3A_88, %dma_start3A_89] : memref<10240x128xf32, #tpu.memory_space<vmem_shared>> -> memref<10240x128xf32, #tpu.memory_space<vmem_shared>>
      tpu.enqueue_indirect_dma source(%arg8 : memref<128x128xf32, #tpu.memory_space<vmem>>) target(%dma_start3A_90 : memref<10240x128xf32, #tpu.memory_space<vmem_shared>>) offsets(%dma_start3A_87 : memref<128xi32, #tpu.memory_space<vmem>>) semaphore(%arg13 : memref<!tpu.dma_semaphore, #tpu.memory_space<semaphore_mem>>) {add = true}
      %add3A_91 = arith.constant 2 : i32
      %add3A_92 = arith.addi %mul3A_68, %add3A_91 : i32
      %lt3A = arith.constant 40 : i32
      %lt3A_93 = arith.cmpi slt, %add3A_92, %lt3A : i32
      %convert_element_type3A_94 = arith.extui %lt3A_93 : i1 to i32
      %cond3A_95 = arith.constant 0 : i32
      %cond3A_96 = arith.cmpi ne, %convert_element_type3A_94, %cond3A_95 : i32
      scf.if %cond3A_96 {
        %dma_wait3A_111 = arith.constant 0 : i32
        %dma_wait3A_112 = tpu.memref_slice %arg7[%mul3A_68, %dma_wait3A_111] : memref<40x128xi32, #tpu.memory_space<vmem>> -> memref<1x128xi32, #tpu.memory_space<vmem>>
        %dma_wait3A_113 = tpu.memref_squeeze %dma_wait3A_112 : memref<1x128xi32, #tpu.memory_space<vmem>> -> memref<128xi32, #tpu.memory_space<vmem>>
        %dma_wait3A_114 = arith.constant 0 : i32
        %dma_wait3A_115 = arith.constant 0 : i32
        %dma_wait3A_116 = tpu.memref_slice %arg10[%dma_wait3A_114, %dma_wait3A_115] : memref<10240x128xf32, #tpu.memory_space<vmem_shared>> -> memref<10240x128xf32, #tpu.memory_space<vmem_shared>>
        tpu.wait_indirect_dma semaphore(%arg13 : memref<!tpu.dma_semaphore, #tpu.memory_space<semaphore_mem>>) src(%arg8 : memref<128x128xf32, #tpu.memory_space<vmem>>) dst(%dma_wait3A_116 : memref<10240x128xf32, #tpu.memory_space<vmem_shared>>)
        %add3A_117 = arith.constant 2 : i32
        %add3A_118 = arith.addi %mul3A_68, %add3A_117 : i32
        %dma_start3A_119 = arith.constant 0 : i32
        %dma_start3A_120 = tpu.memref_slice %arg6[%add3A_118, %dma_start3A_119] : memref<40x128xi32, #tpu.memory_space<vmem>> -> memref<1x128xi32, #tpu.memory_space<vmem>>
        %dma_start3A_121 = tpu.memref_squeeze %dma_start3A_120 : memref<1x128xi32, #tpu.memory_space<vmem>> -> memref<128xi32, #tpu.memory_space<vmem>>
        %dma_start3A_122 = arith.constant 0 : i32
        %dma_start3A_123 = arith.constant 0 : i32
        %dma_start3A_124 = tpu.memref_slice %arg2[%dma_start3A_122, %dma_start3A_123] : memref<10240x128xf32, #tpu.memory_space<hbm>> -> memref<10240x128xf32, #tpu.memory_space<hbm>>
        tpu.enqueue_indirect_dma source(%dma_start3A_124 : memref<10240x128xf32, #tpu.memory_space<hbm>>) target(%arg8 : memref<128x128xf32, #tpu.memory_space<vmem>>) offsets(%dma_start3A_121 : memref<128xi32, #tpu.memory_space<vmem>>) semaphore(%arg11 : memref<!tpu.dma_semaphore, #tpu.memory_space<semaphore_mem>>)
      } else {
      }
      %dma_wait3A_97 = arith.constant 0 : i32
      %dma_wait3A_98 = tpu.memref_slice %arg6[%add3A_72, %dma_wait3A_97] : memref<40x128xi32, #tpu.memory_space<vmem>> -> memref<1x128xi32, #tpu.memory_space<vmem>>
      %dma_wait3A_99 = tpu.memref_squeeze %dma_wait3A_98 : memref<1x128xi32, #tpu.memory_space<vmem>> -> memref<128xi32, #tpu.memory_space<vmem>>
      %dma_wait3A_100 = arith.constant 0 : i32
      %dma_wait3A_101 = arith.constant 0 : i32
      %dma_wait3A_102 = tpu.memref_slice %arg2[%dma_wait3A_100, %dma_wait3A_101] : memref<10240x128xf32, #tpu.memory_space<hbm>> -> memref<10240x128xf32, #tpu.memory_space<hbm>>
      tpu.wait_indirect_dma semaphore(%arg12 : memref<!tpu.dma_semaphore, #tpu.memory_space<semaphore_mem>>) src(%dma_wait3A_102 : memref<10240x128xf32, #tpu.memory_space<hbm>>) dst(%arg9 : memref<128x128xf32, #tpu.memory_space<vmem>>)
      %add3A_103 = arith.constant 1 : i32
      %add3A_104 = arith.addi %mul3A_68, %add3A_103 : i32
      %dma_start3A_105 = arith.constant 0 : i32
      %dma_start3A_106 = tpu.memref_slice %arg7[%add3A_104, %dma_start3A_105] : memref<40x128xi32, #tpu.memory_space<vmem>> -> memref<1x128xi32, #tpu.memory_space<vmem>>
      %dma_start3A_107 = tpu.memref_squeeze %dma_start3A_106 : memref<1x128xi32, #tpu.memory_space<vmem>> -> memref<128xi32, #tpu.memory_space<vmem>>
      %dma_start3A_108 = arith.constant 0 : i32
      %dma_start3A_109 = arith.constant 0 : i32
      %dma_start3A_110 = tpu.memref_slice %arg10[%dma_start3A_108, %dma_start3A_109] : memref<10240x128xf32, #tpu.memory_space<vmem_shared>> -> memref<10240x128xf32, #tpu.memory_space<vmem_shared>>
      tpu.enqueue_indirect_dma source(%arg9 : memref<128x128xf32, #tpu.memory_space<vmem>>) target(%dma_start3A_110 : memref<10240x128xf32, #tpu.memory_space<vmem_shared>>) offsets(%dma_start3A_107 : memref<128xi32, #tpu.memory_space<vmem>>) semaphore(%arg14 : memref<!tpu.dma_semaphore, #tpu.memory_space<semaphore_mem>>) {add = true}
    }
    %scan3A_47 = arith.constant 20 : i32
    %dma_wait3A_48 = arith.constant 0 : i32
    %dma_wait3A_49 = arith.constant 0 : i32
    %dma_wait3A_50 = tpu.memref_slice %arg7[%dma_wait3A_48, %dma_wait3A_49] : memref<40x128xi32, #tpu.memory_space<vmem>> -> memref<1x128xi32, #tpu.memory_space<vmem>>
    %dma_wait3A_51 = tpu.memref_squeeze %dma_wait3A_50 : memref<1x128xi32, #tpu.memory_space<vmem>> -> memref<128xi32, #tpu.memory_space<vmem>>
    %dma_wait3A_52 = arith.constant 0 : i32
    %dma_wait3A_53 = arith.constant 0 : i32
    %dma_wait3A_54 = tpu.memref_slice %arg10[%dma_wait3A_52, %dma_wait3A_53] : memref<10240x128xf32, #tpu.memory_space<vmem_shared>> -> memref<10240x128xf32, #tpu.memory_space<vmem_shared>>
    tpu.wait_indirect_dma semaphore(%arg13 : memref<!tpu.dma_semaphore, #tpu.memory_space<semaphore_mem>>) src(%arg8 : memref<128x128xf32, #tpu.memory_space<vmem>>) dst(%dma_wait3A_54 : memref<10240x128xf32, #tpu.memory_space<vmem_shared>>)
    %dma_wait3A_55 = arith.constant 1 : i32
    %dma_wait3A_56 = arith.constant 0 : i32
    %dma_wait3A_57 = tpu.memref_slice %arg7[%dma_wait3A_55, %dma_wait3A_56] : memref<40x128xi32, #tpu.memory_space<vmem>> -> memref<1x128xi32, #tpu.memory_space<vmem>>
    %dma_wait3A_58 = tpu.memref_squeeze %dma_wait3A_57 : memref<1x128xi32, #tpu.memory_space<vmem>> -> memref<128xi32, #tpu.memory_space<vmem>>
    %dma_wait3A_59 = arith.constant 0 : i32
    %dma_wait3A_60 = arith.constant 0 : i32
    %dma_wait3A_61 = tpu.memref_slice %arg10[%dma_wait3A_59, %dma_wait3A_60] : memref<10240x128xf32, #tpu.memory_space<vmem_shared>> -> memref<10240x128xf32, #tpu.memory_space<vmem_shared>>
    tpu.wait_indirect_dma semaphore(%arg14 : memref<!tpu.dma_semaphore, #tpu.memory_space<semaphore_mem>>) src(%arg9 : memref<128x128xf32, #tpu.memory_space<vmem>>) dst(%dma_wait3A_61 : memref<10240x128xf32, #tpu.memory_space<vmem_shared>>)
    %barrier3A_62 = arith.constant 0 : index
    tpu.barrier barrier_id(%barrier3A_62)
    %mul3A_63 = arith.constant 10240 : i32
    %mul3A_64 = arith.muli %arg0, %mul3A_63 : i32
    %add3A_65 = arith.addi %mul3A_64, %mul3A_2 : i32
    "tpu.region"() ({
      %run_scoped3A = tpu.sem_alloc : memref<!tpu.dma_semaphore, #tpu.memory_space<semaphore_mem>>
      %dma_start3A_66 = arith.constant 0 : i32
      %dma_start3A_67 = tpu.memref_slice %arg5[%add3A_65, %dma_start3A_66] : memref<20480x128xf32, #tpu.memory_space<hbm>> -> memref<640x128xf32, #tpu.memory_space<hbm>>
      %dma_start3A_68 = arith.constant 0 : i32
      %dma_start3A_69 = tpu.memref_slice %arg10[%mul3A_2, %dma_start3A_68] : memref<10240x128xf32, #tpu.memory_space<vmem_shared>> -> memref<640x128xf32, #tpu.memory_space<vmem_shared>>
      tpu.enqueue_dma source(%dma_start3A_69 : memref<640x128xf32, #tpu.memory_space<vmem_shared>>) target(%dma_start3A_67 : memref<640x128xf32, #tpu.memory_space<hbm>>) target_semaphore(%run_scoped3A : memref<!tpu.dma_semaphore, #tpu.memory_space<semaphore_mem>>)
      %dma_wait3A_70 = arith.constant 0 : i32
      %dma_wait3A_71 = tpu.memref_slice %arg5[%add3A_65, %dma_wait3A_70] : memref<20480x128xf32, #tpu.memory_space<hbm>> -> memref<640x128xf32, #tpu.memory_space<hbm>>
      %dma_wait3A_72 = arith.constant 0 : i32
      %dma_wait3A_73 = tpu.memref_slice %arg10[%mul3A_2, %dma_wait3A_72] : memref<10240x128xf32, #tpu.memory_space<vmem_shared>> -> memref<640x128xf32, #tpu.memory_space<vmem_shared>>
      tpu.wait_dma2 semaphore(%run_scoped3A : memref<!tpu.dma_semaphore, #tpu.memory_space<semaphore_mem>>) src(%dma_wait3A_73 : memref<640x128xf32, #tpu.memory_space<vmem_shared>>) dst(%dma_wait3A_71 : memref<640x128xf32, #tpu.memory_space<hbm>>)
      tpu.yield
    }) : () -> ()
    return
  }
}

#map = affine_map<(d0, d1) -> (0, 0)>
module attributes {stable_mosaic.version = 14 : i64} {
  func.func @_deg_body(%arg0: i32, %arg1: i32, %arg2: memref<2560x128xi32, #tpu.memory_space<hbm>>, %arg3: memref<128x128xf32, #tpu.memory_space<hbm>>, %arg4: memref<640x128xf32, #tpu.memory_space<hbm>>, %arg5: memref<20480x128xf32, #tpu.memory_space<hbm>>, %arg6: memref<80x128xi32, #tpu.memory_space<vmem>>, %arg7: memref<128x128xf32, #tpu.memory_space<vmem>>, %arg8: memref<10240x128xf32, #tpu.memory_space<vmem_shared>>, %arg9: memref<!tpu.dma_semaphore, #tpu.memory_space<semaphore_mem>>, %arg10: memref<!tpu.dma_semaphore, #tpu.memory_space<semaphore_mem>>) attributes {dimension_semantics = [#tpu.dimension_semantics<core_parallel>, #tpu.dimension_semantics<subcore_parallel>], iteration_bounds = array<i64: 2, 16>, scalar_prefetch = 0 : i64, scratch_operands = 5 : i64, tpu.core_type = #tpu.core_type<sc_vector_subcore>, window_params = [{transform_indices = #map}, {transform_indices = #map}, {transform_indices = #map}, {transform_indices = #map}]} {
    %mul3A = arith.constant 16 : i32
    %mul3A_0 = arith.muli %arg0, %mul3A : i32
    %add3A = arith.addi %mul3A_0, %arg1 : i32
    %mul3A_1 = arith.constant 640 : i32
    %mul3A_2 = arith.muli %arg1, %mul3A_1 : i32
    "tpu.region"() ({
      %run_scoped3A = tpu.sem_alloc : memref<!tpu.dma_semaphore, #tpu.memory_space<semaphore_mem>>
      tpu.enqueue_dma source(%arg3 : memref<128x128xf32, #tpu.memory_space<hbm>>) target(%arg7 : memref<128x128xf32, #tpu.memory_space<vmem>>) target_semaphore(%run_scoped3A : memref<!tpu.dma_semaphore, #tpu.memory_space<semaphore_mem>>)
      tpu.wait_dma2 semaphore(%run_scoped3A : memref<!tpu.dma_semaphore, #tpu.memory_space<semaphore_mem>>) src(%arg3 : memref<128x128xf32, #tpu.memory_space<hbm>>) dst(%arg7 : memref<128x128xf32, #tpu.memory_space<vmem>>)
      tpu.yield
    }) : () -> ()
    %mul3A_3 = arith.constant 80 : i32
    %mul3A_4 = arith.muli %add3A, %mul3A_3 : i32
    "tpu.region"() ({
      %run_scoped3A = tpu.sem_alloc : memref<!tpu.dma_semaphore, #tpu.memory_space<semaphore_mem>>
      %dma_start3A = arith.constant 0 : i32
      %dma_start3A_27 = tpu.memref_slice %arg2[%mul3A_4, %dma_start3A] : memref<2560x128xi32, #tpu.memory_space<hbm>> -> memref<80x128xi32, #tpu.memory_space<hbm>>
      %dma_start3A_28 = arith.constant 0 : i32
      %dma_start3A_29 = tpu.memref_slice %arg2[%mul3A_4, %dma_start3A_28] : memref<2560x128xi32, #tpu.memory_space<hbm>> -> memref<80x128xi32, #tpu.memory_space<hbm>>
      tpu.enqueue_dma source(%dma_start3A_29 : memref<80x128xi32, #tpu.memory_space<hbm>>) target(%arg6 : memref<80x128xi32, #tpu.memory_space<vmem>>) target_semaphore(%run_scoped3A : memref<!tpu.dma_semaphore, #tpu.memory_space<semaphore_mem>>)
      %dma_wait3A_30 = arith.constant 0 : i32
      %dma_wait3A_31 = tpu.memref_slice %arg2[%mul3A_4, %dma_wait3A_30] : memref<2560x128xi32, #tpu.memory_space<hbm>> -> memref<80x128xi32, #tpu.memory_space<hbm>>
      %dma_wait3A_32 = arith.constant 0 : i32
      %dma_wait3A_33 = tpu.memref_slice %arg2[%mul3A_4, %dma_wait3A_32] : memref<2560x128xi32, #tpu.memory_space<hbm>> -> memref<80x128xi32, #tpu.memory_space<hbm>>
      tpu.wait_dma2 semaphore(%run_scoped3A : memref<!tpu.dma_semaphore, #tpu.memory_space<semaphore_mem>>) src(%dma_wait3A_33 : memref<80x128xi32, #tpu.memory_space<hbm>>) dst(%arg6 : memref<80x128xi32, #tpu.memory_space<vmem>>)
      tpu.yield
    }) : () -> ()
    "tpu.region"() ({
      %run_scoped3A = tpu.sem_alloc : memref<!tpu.dma_semaphore, #tpu.memory_space<semaphore_mem>>
      %dma_start3A = arith.constant 0 : i32
      %dma_start3A_27 = tpu.memref_slice %arg8[%mul3A_2, %dma_start3A] : memref<10240x128xf32, #tpu.memory_space<vmem_shared>> -> memref<640x128xf32, #tpu.memory_space<vmem_shared>>
      tpu.enqueue_dma source(%arg4 : memref<640x128xf32, #tpu.memory_space<hbm>>) target(%dma_start3A_27 : memref<640x128xf32, #tpu.memory_space<vmem_shared>>) target_semaphore(%run_scoped3A : memref<!tpu.dma_semaphore, #tpu.memory_space<semaphore_mem>>)
      %dma_wait3A_28 = arith.constant 0 : i32
      %dma_wait3A_29 = tpu.memref_slice %arg8[%mul3A_2, %dma_wait3A_28] : memref<10240x128xf32, #tpu.memory_space<vmem_shared>> -> memref<640x128xf32, #tpu.memory_space<vmem_shared>>
      tpu.wait_dma2 semaphore(%run_scoped3A : memref<!tpu.dma_semaphore, #tpu.memory_space<semaphore_mem>>) src(%arg4 : memref<640x128xf32, #tpu.memory_space<hbm>>) dst(%dma_wait3A_29 : memref<640x128xf32, #tpu.memory_space<vmem_shared>>)
      tpu.yield
    }) : () -> ()
    %barrier3A = arith.constant 0 : index
    tpu.barrier barrier_id(%barrier3A)
    %scan3A = arith.constant 0 : i32
    %scan3A_5 = arith.constant 0 : i32
    %scan3A_6 = arith.constant 40 : i32
    %scan3A_7 = arith.addi %scan3A_5, %scan3A_6 : i32
    %scan3A_8 = arith.constant 1 : i32
    scf.for %scan3A_27 = %scan3A_5 to %scan3A_7 step %scan3A_8  : i32 {
      %mul3A_28 = arith.constant 2 : i32
      %mul3A_29 = arith.muli %mul3A_28, %scan3A_27 : i32
      %gt3A = arith.constant 0 : i32
      %gt3A_30 = arith.cmpi sgt, %scan3A_27, %gt3A : i32
      %convert_element_type3A = arith.extui %gt3A_30 : i1 to i32
      %cond3A = arith.constant 0 : i32
      %cond3A_31 = arith.cmpi ne, %convert_element_type3A, %cond3A : i32
      scf.if %cond3A_31 {
        %sub3A = arith.constant 2 : i32
        %sub3A_45 = arith.subi %mul3A_29, %sub3A : i32
        %dma_wait3A_46 = arith.constant 0 : i32
        %dma_wait3A_47 = tpu.memref_slice %arg6[%sub3A_45, %dma_wait3A_46] : memref<80x128xi32, #tpu.memory_space<vmem>> -> memref<1x128xi32, #tpu.memory_space<vmem>>
        %dma_wait3A_48 = tpu.memref_squeeze %dma_wait3A_47 : memref<1x128xi32, #tpu.memory_space<vmem>> -> memref<128xi32, #tpu.memory_space<vmem>>
        %dma_wait3A_49 = arith.constant 0 : i32
        %dma_wait3A_50 = arith.constant 0 : i32
        %dma_wait3A_51 = tpu.memref_slice %arg8[%dma_wait3A_49, %dma_wait3A_50] : memref<10240x128xf32, #tpu.memory_space<vmem_shared>> -> memref<10240x128xf32, #tpu.memory_space<vmem_shared>>
        tpu.wait_indirect_dma semaphore(%arg9 : memref<!tpu.dma_semaphore, #tpu.memory_space<semaphore_mem>>) src(%arg7 : memref<128x128xf32, #tpu.memory_space<vmem>>) dst(%dma_wait3A_51 : memref<10240x128xf32, #tpu.memory_space<vmem_shared>>)
        %sub3A_52 = arith.constant 1 : i32
        %sub3A_53 = arith.subi %mul3A_29, %sub3A_52 : i32
        %dma_wait3A_54 = arith.constant 0 : i32
        %dma_wait3A_55 = tpu.memref_slice %arg6[%sub3A_53, %dma_wait3A_54] : memref<80x128xi32, #tpu.memory_space<vmem>> -> memref<1x128xi32, #tpu.memory_space<vmem>>
        %dma_wait3A_56 = tpu.memref_squeeze %dma_wait3A_55 : memref<1x128xi32, #tpu.memory_space<vmem>> -> memref<128xi32, #tpu.memory_space<vmem>>
        %dma_wait3A_57 = arith.constant 0 : i32
        %dma_wait3A_58 = arith.constant 0 : i32
        %dma_wait3A_59 = tpu.memref_slice %arg8[%dma_wait3A_57, %dma_wait3A_58] : memref<10240x128xf32, #tpu.memory_space<vmem_shared>> -> memref<10240x128xf32, #tpu.memory_space<vmem_shared>>
        tpu.wait_indirect_dma semaphore(%arg10 : memref<!tpu.dma_semaphore, #tpu.memory_space<semaphore_mem>>) src(%arg7 : memref<128x128xf32, #tpu.memory_space<vmem>>) dst(%dma_wait3A_59 : memref<10240x128xf32, #tpu.memory_space<vmem_shared>>)
      } else {
      }
      %dma_start3A = arith.constant 0 : i32
      %dma_start3A_32 = tpu.memref_slice %arg6[%mul3A_29, %dma_start3A] : memref<80x128xi32, #tpu.memory_space<vmem>> -> memref<1x128xi32, #tpu.memory_space<vmem>>
      %dma_start3A_33 = tpu.memref_squeeze %dma_start3A_32 : memref<1x128xi32, #tpu.memory_space<vmem>> -> memref<128xi32, #tpu.memory_space<vmem>>
      %dma_start3A_34 = arith.constant 0 : i32
      %dma_start3A_35 = arith.constant 0 : i32
      %dma_start3A_36 = tpu.memref_slice %arg8[%dma_start3A_34, %dma_start3A_35] : memref<10240x128xf32, #tpu.memory_space<vmem_shared>> -> memref<10240x128xf32, #tpu.memory_space<vmem_shared>>
      tpu.enqueue_indirect_dma source(%arg7 : memref<128x128xf32, #tpu.memory_space<vmem>>) target(%dma_start3A_36 : memref<10240x128xf32, #tpu.memory_space<vmem_shared>>) offsets(%dma_start3A_33 : memref<128xi32, #tpu.memory_space<vmem>>) semaphore(%arg9 : memref<!tpu.dma_semaphore, #tpu.memory_space<semaphore_mem>>) {add = true}
      %add3A_37 = arith.constant 1 : i32
      %add3A_38 = arith.addi %mul3A_29, %add3A_37 : i32
      %dma_start3A_39 = arith.constant 0 : i32
      %dma_start3A_40 = tpu.memref_slice %arg6[%add3A_38, %dma_start3A_39] : memref<80x128xi32, #tpu.memory_space<vmem>> -> memref<1x128xi32, #tpu.memory_space<vmem>>
      %dma_start3A_41 = tpu.memref_squeeze %dma_start3A_40 : memref<1x128xi32, #tpu.memory_space<vmem>> -> memref<128xi32, #tpu.memory_space<vmem>>
      %dma_start3A_42 = arith.constant 0 : i32
      %dma_start3A_43 = arith.constant 0 : i32
      %dma_start3A_44 = tpu.memref_slice %arg8[%dma_start3A_42, %dma_start3A_43] : memref<10240x128xf32, #tpu.memory_space<vmem_shared>> -> memref<10240x128xf32, #tpu.memory_space<vmem_shared>>
      tpu.enqueue_indirect_dma source(%arg7 : memref<128x128xf32, #tpu.memory_space<vmem>>) target(%dma_start3A_44 : memref<10240x128xf32, #tpu.memory_space<vmem_shared>>) offsets(%dma_start3A_41 : memref<128xi32, #tpu.memory_space<vmem>>) semaphore(%arg10 : memref<!tpu.dma_semaphore, #tpu.memory_space<semaphore_mem>>) {add = true}
    }
    %scan3A_9 = arith.constant 40 : i32
    %dma_wait3A = arith.constant 0 : i32
    %dma_wait3A_10 = arith.constant 0 : i32
    %dma_wait3A_11 = tpu.memref_slice %arg6[%dma_wait3A, %dma_wait3A_10] : memref<80x128xi32, #tpu.memory_space<vmem>> -> memref<1x128xi32, #tpu.memory_space<vmem>>
    %dma_wait3A_12 = tpu.memref_squeeze %dma_wait3A_11 : memref<1x128xi32, #tpu.memory_space<vmem>> -> memref<128xi32, #tpu.memory_space<vmem>>
    %dma_wait3A_13 = arith.constant 0 : i32
    %dma_wait3A_14 = arith.constant 0 : i32
    %dma_wait3A_15 = tpu.memref_slice %arg8[%dma_wait3A_13, %dma_wait3A_14] : memref<10240x128xf32, #tpu.memory_space<vmem_shared>> -> memref<10240x128xf32, #tpu.memory_space<vmem_shared>>
    tpu.wait_indirect_dma semaphore(%arg9 : memref<!tpu.dma_semaphore, #tpu.memory_space<semaphore_mem>>) src(%arg7 : memref<128x128xf32, #tpu.memory_space<vmem>>) dst(%dma_wait3A_15 : memref<10240x128xf32, #tpu.memory_space<vmem_shared>>)
    %dma_wait3A_16 = arith.constant 1 : i32
    %dma_wait3A_17 = arith.constant 0 : i32
    %dma_wait3A_18 = tpu.memref_slice %arg6[%dma_wait3A_16, %dma_wait3A_17] : memref<80x128xi32, #tpu.memory_space<vmem>> -> memref<1x128xi32, #tpu.memory_space<vmem>>
    %dma_wait3A_19 = tpu.memref_squeeze %dma_wait3A_18 : memref<1x128xi32, #tpu.memory_space<vmem>> -> memref<128xi32, #tpu.memory_space<vmem>>
    %dma_wait3A_20 = arith.constant 0 : i32
    %dma_wait3A_21 = arith.constant 0 : i32
    %dma_wait3A_22 = tpu.memref_slice %arg8[%dma_wait3A_20, %dma_wait3A_21] : memref<10240x128xf32, #tpu.memory_space<vmem_shared>> -> memref<10240x128xf32, #tpu.memory_space<vmem_shared>>
    tpu.wait_indirect_dma semaphore(%arg10 : memref<!tpu.dma_semaphore, #tpu.memory_space<semaphore_mem>>) src(%arg7 : memref<128x128xf32, #tpu.memory_space<vmem>>) dst(%dma_wait3A_22 : memref<10240x128xf32, #tpu.memory_space<vmem_shared>>)
    %barrier3A_23 = arith.constant 0 : index
    tpu.barrier barrier_id(%barrier3A_23)
    %mul3A_24 = arith.constant 10240 : i32
    %mul3A_25 = arith.muli %arg0, %mul3A_24 : i32
    %add3A_26 = arith.addi %mul3A_25, %mul3A_2 : i32
    "tpu.region"() ({
      %run_scoped3A = tpu.sem_alloc : memref<!tpu.dma_semaphore, #tpu.memory_space<semaphore_mem>>
      %dma_start3A = arith.constant 0 : i32
      %dma_start3A_27 = tpu.memref_slice %arg5[%add3A_26, %dma_start3A] : memref<20480x128xf32, #tpu.memory_space<hbm>> -> memref<640x128xf32, #tpu.memory_space<hbm>>
      %dma_start3A_28 = arith.constant 0 : i32
      %dma_start3A_29 = tpu.memref_slice %arg8[%mul3A_2, %dma_start3A_28] : memref<10240x128xf32, #tpu.memory_space<vmem_shared>> -> memref<640x128xf32, #tpu.memory_space<vmem_shared>>
      tpu.enqueue_dma source(%dma_start3A_29 : memref<640x128xf32, #tpu.memory_space<vmem_shared>>) target(%dma_start3A_27 : memref<640x128xf32, #tpu.memory_space<hbm>>) target_semaphore(%run_scoped3A : memref<!tpu.dma_semaphore, #tpu.memory_space<semaphore_mem>>)
      %dma_wait3A_30 = arith.constant 0 : i32
      %dma_wait3A_31 = tpu.memref_slice %arg5[%add3A_26, %dma_wait3A_30] : memref<20480x128xf32, #tpu.memory_space<hbm>> -> memref<640x128xf32, #tpu.memory_space<hbm>>
      %dma_wait3A_32 = arith.constant 0 : i32
      %dma_wait3A_33 = tpu.memref_slice %arg8[%mul3A_2, %dma_wait3A_32] : memref<10240x128xf32, #tpu.memory_space<vmem_shared>> -> memref<640x128xf32, #tpu.memory_space<vmem_shared>>
      tpu.wait_dma2 semaphore(%run_scoped3A : memref<!tpu.dma_semaphore, #tpu.memory_space<semaphore_mem>>) src(%dma_wait3A_33 : memref<640x128xf32, #tpu.memory_space<vmem_shared>>) dst(%dma_wait3A_31 : memref<640x128xf32, #tpu.memory_space<hbm>>)
      tpu.yield
    }) : () -> ()
    return
  }
}

module attributes {stable_mosaic.version = 14 : i64} {
  func.func @_mm_body(%arg0: memref<10000x128xf32, #tpu.memory_space<vmem>>, %arg1: memref<1x128xf32, #tpu.memory_space<vmem>>, %arg2: memref<1x128xf32, #tpu.memory_space<vmem>>, %arg3: memref<128x128xf32, #tpu.memory_space<vmem>>, %arg4: memref<10240x128xf32, #tpu.memory_space<vmem>>) attributes {dimension_semantics = [], scalar_prefetch = 0 : i64, scratch_operands = 0 : i64, tpu.core_type = #tpu.core_type<tc>} {
    %get3A = arith.constant 0 : index
    %get3A_0 = arith.constant 0 : index
    %get3A_1 = vector.load %arg0[%get3A, %get3A_0] : memref<10000x128xf32, #tpu.memory_space<vmem>>, vector<10000x128xf32>
    %reduce_sum3A = arith.constant dense<0.000000e+00> : vector<128xf32>
    %reduce_sum3A_2 = vector.multi_reduction <add>, %get3A_1, %reduce_sum3A [0] : vector<10000x128xf32> to vector<128xf32>
    %broadcast_in_dim3A = vector.shape_cast %reduce_sum3A_2 : vector<128xf32> to vector<1x128xf32>
    %div3A = arith.constant 1.000000e+04 : f32
    %div3A_3 = vector.broadcast %div3A : f32 to vector<1x128xf32>
    %div3A_4 = arith.divf %broadcast_in_dim3A, %div3A_3 : vector<1x128xf32>
    %sub3A = vector.broadcast %div3A_4 : vector<1x128xf32> to vector<10000x128xf32>
    %sub3A_5 = arith.subf %get3A_1, %sub3A : vector<10000x128xf32>
    %mul3A = arith.mulf %sub3A_5, %sub3A_5 : vector<10000x128xf32>
    %reduce_sum3A_6 = arith.constant dense<0.000000e+00> : vector<128xf32>
    %reduce_sum3A_7 = vector.multi_reduction <add>, %mul3A, %reduce_sum3A_6 [0] : vector<10000x128xf32> to vector<128xf32>
    %broadcast_in_dim3A_8 = vector.shape_cast %reduce_sum3A_7 : vector<128xf32> to vector<1x128xf32>
    %div3A_9 = arith.constant 1.000000e+04 : f32
    %div3A_10 = vector.broadcast %div3A_9 : f32 to vector<1x128xf32>
    %div3A_11 = arith.divf %broadcast_in_dim3A_8, %div3A_10 : vector<1x128xf32>
    %add3A = arith.constant 9.99999974E-6 : f32
    %add3A_12 = vector.broadcast %add3A : f32 to vector<1x128xf32>
    %add3A_13 = arith.addf %div3A_11, %add3A_12 : vector<1x128xf32>
    %rsqrt3A = math.rsqrt %add3A_13 : vector<1x128xf32>
    %mul3A_14 = vector.broadcast %rsqrt3A : vector<1x128xf32> to vector<10000x128xf32>
    %mul3A_15 = arith.mulf %sub3A_5, %mul3A_14 : vector<10000x128xf32>
    %get3A_16 = arith.constant 0 : index
    %get3A_17 = arith.constant 0 : index
    %get3A_18 = vector.load %arg1[%get3A_16, %get3A_17] : memref<1x128xf32, #tpu.memory_space<vmem>>, vector<1x128xf32>
    %mul3A_19 = vector.broadcast %get3A_18 : vector<1x128xf32> to vector<10000x128xf32>
    %mul3A_20 = arith.mulf %mul3A_15, %mul3A_19 : vector<10000x128xf32>
    %get3A_21 = arith.constant 0 : index
    %get3A_22 = arith.constant 0 : index
    %get3A_23 = vector.load %arg2[%get3A_21, %get3A_22] : memref<1x128xf32, #tpu.memory_space<vmem>>, vector<1x128xf32>
    %add3A_24 = vector.broadcast %get3A_23 : vector<1x128xf32> to vector<10000x128xf32>
    %add3A_25 = arith.addf %mul3A_20, %add3A_24 : vector<10000x128xf32>
    %get3A_26 = arith.constant 0 : index
    %get3A_27 = arith.constant 0 : index
    %get3A_28 = vector.load %arg3[%get3A_26, %get3A_27] : memref<128x128xf32, #tpu.memory_space<vmem>>, vector<128x128xf32>
    %dot_general3A = arith.constant dense<0.000000e+00> : vector<10000x128xf32>
    %dot_general3A_29 = tpu.matmul %add3A_25, %get3A_28, %dot_general3A {dimension_numbers = #tpu.dot_dimension_numbers<[1], [0], [0], [1], [0, 0, 1, 1], [], []>, transpose_lhs_hint = false} : vector<10000x128xf32>, vector<128x128xf32>, vector<10000x128xf32> -> vector<10000x128xf32>
    %swap3A = arith.constant 0 : index
    %swap3A_30 = arith.constant 0 : index
    %swap3A_31 = vector.load %arg4[%swap3A, %swap3A_30] : memref<10240x128xf32, #tpu.memory_space<vmem>>, vector<10000x128xf32>
    tpu.vector_store %arg4[%swap3A, %swap3A_30], %dot_general3A_29 {strides = array<i32>} : memref<10240x128xf32, #tpu.memory_space<vmem>>, vector<10000x128xf32>,
    %broadcast_in_dim3A_32 = arith.constant 0.000000e+00 : f32
    %broadcast_in_dim3A_33 = vector.broadcast %broadcast_in_dim3A_32 : f32 to vector<240x128xf32>
    %swap3A_34 = arith.constant 10000 : index
    %swap3A_35 = arith.constant 0 : index
    %swap3A_36 = vector.load %arg4[%swap3A_34, %swap3A_35] : memref<10240x128xf32, #tpu.memory_space<vmem>>, vector<240x128xf32>
    tpu.vector_store %arg4[%swap3A_34, %swap3A_35], %broadcast_in_dim3A_33 {strides = array<i32>} : memref<10240x128xf32, #tpu.memory_space<vmem>>, vector<240x128xf32>,
    return
  }
}

module attributes {stable_mosaic.version = 14 : i64} {
  func.func @_scale_body(%arg0: memref<10240x128xf32, #tpu.memory_space<vmem>>, %arg1: memref<20480x128xf32, #tpu.memory_space<vmem>>, %arg2: memref<10240x128xf32, #tpu.memory_space<vmem>>) attributes {dimension_semantics = [], scalar_prefetch = 0 : i64, scratch_operands = 0 : i64, tpu.core_type = #tpu.core_type<tc>} {
    %get3A = arith.constant 0 : index
    %get3A_0 = arith.constant 0 : index
    %get3A_1 = vector.load %arg1[%get3A, %get3A_0] : memref<20480x128xf32, #tpu.memory_space<vmem>>, vector<20480x128xf32>
    %slice3A = vector.extract_strided_slice %get3A_1 {offsets = [0, 0], sizes = [10240, 1], strides = [1, 1]} : vector<20480x128xf32> to vector<10240x1xf32>
    %add3A = arith.constant 1.000000e+00 : f32
    %add3A_2 = vector.broadcast %add3A : f32 to vector<10240x1xf32>
    %add3A_3 = arith.addf %add3A_2, %slice3A : vector<10240x1xf32>
    %slice3A_4 = vector.extract_strided_slice %get3A_1 {offsets = [10240, 0], sizes = [10240, 1], strides = [1, 1]} : vector<20480x128xf32> to vector<10240x1xf32>
    %add3A_5 = arith.addf %add3A_3, %slice3A_4 : vector<10240x1xf32>
    %get3A_6 = arith.constant 0 : index
    %get3A_7 = arith.constant 0 : index
    %get3A_8 = vector.load %arg0[%get3A_6, %get3A_7] : memref<10240x128xf32, #tpu.memory_space<vmem>>, vector<10240x128xf32>
    %rsqrt3A = math.rsqrt %add3A_5 : vector<10240x1xf32>
    %mul3A = vector.broadcast %rsqrt3A : vector<10240x1xf32> to vector<10240x128xf32>
    %mul3A_9 = arith.mulf %get3A_8, %mul3A : vector<10240x128xf32>
    %swap3A = arith.constant 0 : index
    %swap3A_10 = arith.constant 0 : index
    %swap3A_11 = vector.load %arg2[%swap3A, %swap3A_10] : memref<10240x128xf32, #tpu.memory_space<vmem>>, vector<10240x128xf32>
    tpu.vector_store %arg2[%swap3A, %swap3A_10], %mul3A_9 {strides = array<i32>} : memref<10240x128xf32, #tpu.memory_space<vmem>>, vector<10240x128xf32>,
    return
  }
}

module attributes {stable_mosaic.version = 14 : i64} {
  func.func @_finish_body(%arg0: memref<20480x128xf32, #tpu.memory_space<vmem>>, %arg1: memref<10240x128xf32, #tpu.memory_space<vmem>>, %arg2: memref<20480x128xf32, #tpu.memory_space<vmem>>, %arg3: memref<1x128xf32, #tpu.memory_space<vmem>>, %arg4: memref<1x128xf32, #tpu.memory_space<vmem>>, %arg5: memref<1x128xf32, #tpu.memory_space<vmem>>, %arg6: memref<10000x128xf32, #tpu.memory_space<vmem>>) attributes {dimension_semantics = [], scalar_prefetch = 0 : i64, scratch_operands = 0 : i64, tpu.core_type = #tpu.core_type<tc>} {
    %get3A = arith.constant 0 : index
    %get3A_0 = arith.constant 0 : index
    %get3A_1 = vector.load %arg2[%get3A, %get3A_0] : memref<20480x128xf32, #tpu.memory_space<vmem>>, vector<20480x128xf32>
    %slice3A = vector.extract_strided_slice %get3A_1 {offsets = [0, 0], sizes = [10000, 1], strides = [1, 1]} : vector<20480x128xf32> to vector<10000x1xf32>
    %add3A = arith.constant 1.000000e+00 : f32
    %add3A_2 = vector.broadcast %add3A : f32 to vector<10000x1xf32>
    %add3A_3 = arith.addf %add3A_2, %slice3A : vector<10000x1xf32>
    %slice3A_4 = vector.extract_strided_slice %get3A_1 {offsets = [10240, 0], sizes = [10000, 1], strides = [1, 1]} : vector<20480x128xf32> to vector<10000x1xf32>
    %add3A_5 = arith.addf %add3A_3, %slice3A_4 : vector<10000x1xf32>
    %get3A_6 = arith.constant 0 : index
    %get3A_7 = arith.constant 0 : index
    %get3A_8 = vector.load %arg0[%get3A_6, %get3A_7] : memref<20480x128xf32, #tpu.memory_space<vmem>>, vector<10000x128xf32>
    %get3A_9 = arith.constant 10240 : index
    %get3A_10 = arith.constant 0 : index
    %get3A_11 = vector.load %arg0[%get3A_9, %get3A_10] : memref<20480x128xf32, #tpu.memory_space<vmem>>, vector<10000x128xf32>
    %add3A_12 = arith.addf %get3A_8, %get3A_11 : vector<10000x128xf32>
    %get3A_13 = arith.constant 0 : index
    %get3A_14 = arith.constant 0 : index
    %get3A_15 = vector.load %arg1[%get3A_13, %get3A_14] : memref<10240x128xf32, #tpu.memory_space<vmem>>, vector<10000x128xf32>
    %sub3A = arith.subf %add3A_12, %get3A_15 : vector<10000x128xf32>
    %rsqrt3A = math.rsqrt %add3A_5 : vector<10000x1xf32>
    %mul3A = vector.broadcast %rsqrt3A : vector<10000x1xf32> to vector<10000x128xf32>
    %mul3A_16 = arith.mulf %sub3A, %mul3A : vector<10000x128xf32>
    %get3A_17 = arith.constant 0 : index
    %get3A_18 = arith.constant 0 : index
    %get3A_19 = vector.load %arg3[%get3A_17, %get3A_18] : memref<1x128xf32, #tpu.memory_space<vmem>>, vector<1x128xf32>
    %add3A_20 = vector.broadcast %get3A_19 : vector<1x128xf32> to vector<10000x128xf32>
    %add3A_21 = arith.addf %mul3A_16, %add3A_20 : vector<10000x128xf32>
    %max3A = arith.constant 0.000000e+00 : f32
    %max3A_22 = vector.broadcast %max3A : f32 to vector<10000x128xf32>
    %max3A_23 = arith.maximumf %add3A_21, %max3A_22 : vector<10000x128xf32>
    %reduce_sum3A = arith.constant dense<0.000000e+00> : vector<128xf32>
    %reduce_sum3A_24 = vector.multi_reduction <add>, %max3A_23, %reduce_sum3A [0] : vector<10000x128xf32> to vector<128xf32>
    %broadcast_in_dim3A = vector.shape_cast %reduce_sum3A_24 : vector<128xf32> to vector<1x128xf32>
    %div3A = arith.constant 1.000000e+04 : f32
    %div3A_25 = vector.broadcast %div3A : f32 to vector<1x128xf32>
    %div3A_26 = arith.divf %broadcast_in_dim3A, %div3A_25 : vector<1x128xf32>
    %sub3A_27 = vector.broadcast %div3A_26 : vector<1x128xf32> to vector<10000x128xf32>
    %sub3A_28 = arith.subf %max3A_23, %sub3A_27 : vector<10000x128xf32>
    %mul3A_29 = arith.mulf %sub3A_28, %sub3A_28 : vector<10000x128xf32>
    %reduce_sum3A_30 = arith.constant dense<0.000000e+00> : vector<128xf32>
    %reduce_sum3A_31 = vector.multi_reduction <add>, %mul3A_29, %reduce_sum3A_30 [0] : vector<10000x128xf32> to vector<128xf32>
    %broadcast_in_dim3A_32 = vector.shape_cast %reduce_sum3A_31 : vector<128xf32> to vector<1x128xf32>
    %div3A_33 = arith.constant 1.000000e+04 : f32
    %div3A_34 = vector.broadcast %div3A_33 : f32 to vector<1x128xf32>
    %div3A_35 = arith.divf %broadcast_in_dim3A_32, %div3A_34 : vector<1x128xf32>
    %add3A_36 = arith.constant 9.99999974E-6 : f32
    %add3A_37 = vector.broadcast %add3A_36 : f32 to vector<1x128xf32>
    %add3A_38 = arith.addf %div3A_35, %add3A_37 : vector<1x128xf32>
    %rsqrt3A_39 = math.rsqrt %add3A_38 : vector<1x128xf32>
    %mul3A_40 = vector.broadcast %rsqrt3A_39 : vector<1x128xf32> to vector<10000x128xf32>
    %mul3A_41 = arith.mulf %sub3A_28, %mul3A_40 : vector<10000x128xf32>
    %get3A_42 = arith.constant 0 : index
    %get3A_43 = arith.constant 0 : index
    %get3A_44 = vector.load %arg4[%get3A_42, %get3A_43] : memref<1x128xf32, #tpu.memory_space<vmem>>, vector<1x128xf32>
    %mul3A_45 = vector.broadcast %get3A_44 : vector<1x128xf32> to vector<10000x128xf32>
    %mul3A_46 = arith.mulf %mul3A_41, %mul3A_45 : vector<10000x128xf32>
    %get3A_47 = arith.constant 0 : index
    %get3A_48 = arith.constant 0 : index
    %get3A_49 = vector.load %arg5[%get3A_47, %get3A_48] : memref<1x128xf32, #tpu.memory_space<vmem>>, vector<1x128xf32>
    %add3A_50 = vector.broadcast %get3A_49 : vector<1x128xf32> to vector<10000x128xf32>
    %add3A_51 = arith.addf %mul3A_46, %add3A_50 : vector<10000x128xf32>
    %swap3A = arith.constant 0 : index
    %swap3A_52 = arith.constant 0 : index
    %swap3A_53 = vector.load %arg6[%swap3A, %swap3A_52] : memref<10000x128xf32, #tpu.memory_space<vmem>>, vector<10000x128xf32>
    tpu.vector_store %arg6[%swap3A, %swap3A_52], %add3A_51 {strides = array<i32>} : memref<10000x128xf32, #tpu.memory_space<vmem>>, vector<10000x128xf32>,
    return
  }
}

</mosaic_0001>

<sc_bundles>
// kernel: kernel.10.cloned.1.call-start
scs
__scs_entry_jumppad:
0x0: {  	(pc) =	sbr.rel $0x88, $3  }
0x1: {  	(tag) =	ssettag $0x0;
	lr =	simm.s32 $0x1  }
0x2: {  	[smem:$0x3F99] =	sst lr;
	_ =	strace $0xD0000000  }
0x3: {  	_ = 	snop  }
0x4: {  	_ = 	snop  }
0x5: {  	_ = 	snop  }
0x6: {  	_ = 	snop  }
0x7: {  	_ = 	snop  }
__scs_overlays_trampoline_lowered:
0x8: {  	[smem:$0x3FA8] =	sst s0  }
0x9: {  	[smem:$0x3FA9] =	sst s1  }
0xa: {  	[smem:$0x3FAA] =	sst s2  }
0xb: {  	[smem:$0x3FAB] =	sst s3  }
0xc: {  	[smem:$0x3FAC] =	sst s4  }
0xd: {  	[smem:$0x3FAD] =	sst s5  }
0xe: {  	[smem:$0x3FAE] =	sst s6  }
0xf: {  	[smem:$0x3FAF] =	sst s7  }
0x10: {  	[smem:$0x3FB0] =	sst s8  }
0x11: {  	[smem:$0x3FB1] =	sst s9;
	s0 =	simm.s32 @!p0 $0x0  }
0x12: {  	s1 =	sld [smem:$0x3F97];
	s0 =	simm.s32 @p0 $0x1  }
0x13: {  	[smem:$0x3FB2] =	sst s0;
	s0 =	simm.s32 @!p1 $0x0  }
0x14: {  	s2 =	sld [smem:$0x3F96];
	s0 =	simm.s32 @p1 $0x1  }
0x15: {  	[smem:$0x3FB3] =	sst s0;
	s0 =	simm.s32 @!p2 $0x0  }
0x16: {  	s3 =	sld [smem:$0x3FDB];
	s0 =	simm.s32 @p2 $0x1  }
0x17: {  	s4 =	simm.s32 $0x1BF5;
	[smem:$0x3FB5] =	sst s0  }
0x18: {  	s0 =	sld [smem:$0x3F98];
	_ =	swait.ge [sflag:s4], $0x0  }
0x19: {  	s7 =	sld [smem:$0x3F99]  }
0x1a: {  	s8 =	sadd.s32 $0xFFFFE003, lr  }
0x1b: {  	s9 =	sadd.s32 $0xFFFFFEF7, lr;
	s5 =	simm.s32 $0xFFFFFFFF;
	p2 =	slt.u32 s8, $0xFFFFF086  }
0x1c: {  	p1 =	slt.u32 s9, $0xF7A;
	s5 =	simm.s32 @!p2 $0x0  }
0x1d: {  	s5 =	simm.s32 @p1 $0x1;
	p0 =	seq.s32 s7, s2  }
0x1e: {  	s7 =	smul.u32 @!p0 $0xF7A, s2;
	p2 =	seq.s32 @!p0 s5, $0x0  }
0x1f: {  	s9 =	smul.u32 $0xF7A, s1;
	s8 =	simm.s32 @!p0 $0x1BF5;
	p2 =	por !p2, p0  }
0x20: {  	[sflag:s8] =	ssyncset.s32 @!p0 $0xFFFFF086;
	s6 =	sadd.s32 @!p0 s3, s7;
	s7 =	simm.s32 @!p0 $0x108  }
0x21: {  	s3 =	sadd.s32 s3, s9;
	s6 =	sadd.s32 @!p0 $0x88, s6;
	s7 =	simm.s32 @p2 $0x1082  }
0x22: {  	[simem:s7], [sflag:s8] =	dma.local @!p0 [hbm:s6], $0xF7A  }
0x23: {  	s9 =	sor.u32 $0xD0000000, s2;
	s6 =	simm.s32 $0x108;
	_ =	swait.ge @!p0 [sflag:s8], $0x0  }
0x24: {  	s3 =	sadd.s32 $0x88, s3;
	s6 =	simm.s32 @!p1 $0x1082;
	[sflag:s4] =	ssyncset.s32 $0xFFFFF086  }
0x25: {  	[simem:s6], [sflag:s4] =	dma.local [hbm:s3], $0xF7A  }
0x26: {  	[smem:$0x3F99] =	sst s1;
	(tag) =	ssettag s2;
	_ =	strace s9  }
0x27: {  	s1 =	sld [smem:$0x3FA9]  }
0x28: {  	s2 =	sld [smem:$0x3FAA]  }
0x29: {  	s4 =	sld [smem:$0x3FAC]  }
0x2a: {  	p0 =	seq.s32 s5, $0x0;
	s5 =	sld [smem:$0x3FAD]  }
0x2b: {  	s6 =	sld [smem:$0x3FAE]  }
0x2c: {  	s7 =	sld [smem:$0x3FAF]  }
0x2d: {  	s3 =	simm.s32 $0x108;
	s8 =	sld [smem:$0x3FB0]  }
0x2e: {  	s3 =	simm.s32 @!p0 $0x1082;
	s9 =	sld [smem:$0x3FB1]  }
0x2f: {  	lr =	sadd.s32 s0, s3;
	s0 =	sld [smem:$0x3FA8]  }
0x30: {  	s3 =	sld [smem:$0x3FAB]  }
0x31: {  	[smem:$0x3FB4] =	sst s10  }
0x32: {  	s10 =	sld [smem:$0x3FB2];
	_ =	sdelay $0x3  }
0x33: {  	p0 =	seq.s32 s10, $0x1;
	s10 =	sld [smem:$0x3FB4];
	_ =	sdelay $0x3  }
0x34: {  	[smem:$0x3FB4] =	sst s10  }
0x35: {  	s10 =	sld [smem:$0x3FB3];
	_ =	sdelay $0x3  }
0x36: {  	p1 =	seq.s32 s10, $0x1;
	s10 =	sld [smem:$0x3FB4];
	_ =	sdelay $0x3  }
0x37: {  	[smem:$0x3FB4] =	sst s10  }
0x38: {  	s10 =	sld [smem:$0x3FB5]  }
0x39: {  	_ = 	snop;
	(pc) =	sbr.ind lr, $3  }
0x3a: {  	_ = 	snop  }
0x3b: {  	_ = 	snop  }
0x3c: {  	p2 =	seq.s32 s10, $0x1;
	s10 =	sld [smem:$0x3FB4]  }
0x3d: {  	_ =	shalt  }
0x3e: {  	_ =	shalt  }
0x3f: {  	_ =	shalt  }
0x40: {  	_ =	shalt  }
0x41: {  	_ =	shalt  }
0x42: {  	_ =	shalt  }
0x43: {  	_ =	shalt  }
0x44: {  	_ =	shalt  }
0x45: {  	_ =	shalt  }
0x46: {  	_ =	shalt  }
0x47: {  	_ =	shalt  }
0x48: {  	_ =	shalt  }
0x49: {  	_ =	shalt  }
0x4a: {  	_ =	shalt  }
0x4b: {  	_ =	shalt  }
0x4c: {  	_ =	shalt  }
0x4d: {  	_ =	shalt  }
0x4e: {  	_ =	shalt  }
0x4f: {  	_ =	shalt  }
0x50: {  	_ =	shalt  }
0x51: {  	_ =	shalt  }
0x52: {  	_ =	shalt  }
0x53: {  	_ =	shalt  }
0x54: {  	_ =	shalt  }
0x55: {  	_ =	shalt  }
0x56: {  	_ =	shalt  }
0x57: {  	_ =	shalt  }
0x58: {  	_ =	shalt  }
0x59: {  	_ =	shalt  }
0x5a: {  	_ =	shalt  }
0x5b: {  	_ =	shalt  }
0x5c: {  	_ =	shalt  }
0x5d: {  	_ =	shalt  }
0x5e: {  	_ =	shalt  }
0x5f: {  	_ =	shalt  }
0x60: {  	_ =	shalt  }
0x61: {  	_ =	shalt  }
0x62: {  	_ =	shalt  }
0x63: {  	_ =	shalt  }
0x64: {  	_ =	shalt  }
0x65: {  	_ =	shalt  }
0x66: {  	_ =	shalt  }
0x67: {  	_ =	shalt  }
0x68: {  	_ =	shalt  }
0x69: {  	_ =	shalt  }
0x6a: {  	_ =	shalt  }
0x6b: {  	_ =	shalt  }
0x6c: {  	_ =	shalt  }
0x6d: {  	_ =	shalt  }
0x6e: {  	_ =	shalt  }
0x6f: {  	_ =	shalt  }
0x70: {  	_ =	shalt  }
0x71: {  	_ =	shalt  }
0x72: {  	_ =	shalt  }
0x73: {  	_ =	shalt  }
0x74: {  	_ =	shalt  }
0x75: {  	_ =	shalt  }
0x76: {  	_ =	shalt  }
0x77: {  	_ =	shalt  }
0x78: {  	_ =	shalt  }
0x79: {  	_ =	shalt  }
0x7a: {  	_ =	shalt  }
0x7b: {  	_ =	shalt  }
0x7c: {  	_ =	shalt  }
0x7d: {  	_ =	shalt  }
0x7e: {  	_ =	shalt  }
0x7f: {  	_ =	shalt  }
0x80: {  	_ =	shalt  }
0x81: {  	_ =	shalt  }
0x82: {  	_ =	shalt  }
0x83: {  	_ =	shalt  }
0x84: {  	_ =	shalt  }
0x85: {  	_ =	shalt  }
0x86: {  	_ =	shalt  }
0x87: {  	_ =	shalt  }
.Lfunc_end0:
.L_simem_size_0:
called_computation.1_lowered:
.L_overlay_start_0:
0x88: {  	s2 =	sld [smem:$0x3FD9]  }
0x89: {  	s3 =	sld [smem:$0x3FFE];
	_ =	sdelay $0x1  }
0x8a: {  	s1 =	srdreg.scid  }
0x8b: {  	s0 =	sand.u32 $0x1, s1  }
0x8c: {  	s17 =	sshll.u32 s0, $0xA;
	s2 =	sadd.s32 s3, s2  }
0x8d: {  	s2 =	sadd.s32 s2, s17  }
0x8e: {  	[smem:$0x3FC0] =	sst s2  }
0x8f: {  	_ = 	snop  }
0x90: {  	s2 =	sld [smem:$0x3FD0];
	(tm) =	ssettm $0x1  }
0x91: {  	s18 =	sld [smem:$0x3FFB];
	_ =	sdelay $0x3  }
0x92: {  	_ =	strace s18  }
0x93: {  	s3 =	sld [smem:$0x3FFC];
	_ =	sdelay $0x3  }
0x94: {  	_ =	strace s3  }
0x95: {  	s3 =	sld [smem:$0x3FFD];
	_ =	sdelay $0x3  }
0x96: {  	_ =	strace s3  }
0x97: {  	_ =	strace $0x8FFFFFFF  }
0x98: {  	s19 =	sld [smem:$0x3FDB];
	_ =	sdelay $0x1  }
0x99: {  	s4 =	simm.s32 $_scs_section_size  }
0x9a: {  	s5 =	simm.s32 $_size__tile_overlayer_lowered;
	s6 =	simm.s32 $_tile_overlayer_lowered  }
0x9b: {  	s22 =	simm.s32 $0x1BFF;
	s21 =	sshll.u32 s6, $0x1;
	s3 =	sadd.s32 s4, s19  }
0x9c: {  	s7 =	simm.s32 $0x0;
	s20 =	sshll.u32 s5, $0x1;
	s5 =	sadd.s32 s21, s3  }
0x9d: {  	[timem:s7], [sflag:s22] =	dma.local [hbm:s5], s20  }
0x9e: {  	_ =	swait.ge [sflag:s22], s20  }
0x9f: {  	s4 =	ssub.s32 $0x0, s20;
	[sflag:s22] =	ssyncset.done $0x0  }
0xa0: {  	[sflag:s22] =	ssyncadd.s32 s4;
	_ =	sdelay $0x1  }
0xa1: {  	s23 =	simm.s32 $0x1B8B  }
0xa2: {  	_ =	swait.ge [sflag:s23], $0x1  }
0xa3: {  	[sflag:s23] =	ssyncset.done $0x0  }
0xa4: {  	s25 =	simm.s32 $0x1B8E;
	s24 =	sld [smem:$0x3FFE];
	[sflag:s23] =	ssyncadd.s32 $0xFFFFFFFF  }
0xa5: {  	s26 =	simm.s32 $execute0_lowered;
	[smem:$0x3FD2] =	sst s25  }
0xa6: {  	s5 =	sshll.u32 s26, $0x1;
	_ =	strace $0x80000049;
	[dreg:$0x1] =	wrdreg $0xFFFFFFFF  }
0xa7: {  	s28 =	simm.s32 $_size_execute0_lowered;
	s3 =	sadd.s32 s3, s5;
	[dreg:$0x0] =	wrdreg $0x0  }
0xa8: {  	s5 =	sshll.u32 s28, $0x1;
	[dreg:$0x2] =	wrdreg s3  }
0xa9: {  	[dreg:$0x3] =	wrdreg s5  }
0xaa: {  	[dreg:$0x4] =	wrdreg $0xC0  }
0xab: {  	_ =	task [dreg:s7], $0x5FFFF  }
0xac: {  	[dreg:$0x1] =	wrdreg $0xFFFFFFFF  }
0xad: {  	[dreg:$0x0] =	wrdreg $0x60  }
0xae: {  	[dreg:$0x2] =	wrdreg s24  }
0xaf: {  	[dreg:$0x3] =	wrdreg s2  }
0xb0: {  	[dreg:$0x4] =	wrdreg $0xA8000  }
0xb1: {  	[dreg:$0x5] =	wrdreg $0x9  }
0xb2: {  	_ =	task.clear_ibuf [dreg:s7], $0x6FFFF;
	_ =	strace $0x90000049  }
0xb3: {  	s29 =	simm.s32 $0x9;
	_ =	strace $0x8000004B  }
0xb4: {  	_ =	swait.ge [sflag:s29], $0x1  }
0xb5: {  	[sflag:s29] =	ssyncadd.s32 $0xFFFFFFFF  }
0xb6: {  	_ =	strace $0x9000004B  }
0xb7: {  	_ =	sfence  }
0xb8: {  	s30 =	sld [smem:$0x0];
	_ =	sdelay $0x2  }
0xb9: {  	s31 =	sshll.u32 s1, $0xD;
	s1 =	sshrl.u32 s1, $0x2  }
0xba: {  	s3 =	sand.u32 $0x4000, s31;
	s1 =	sadd.s32 s1, s30  }
0xbb: {  	s0 =	sor.u32 s3, s0;
	s1 =	sshll.u32 s1, $0x11  }
0xbc: {  	s0 =	sor.u32 s1, s0  }
0xbd: {  	s0 =	sadd.s32 $0x8F2B, s0  }
0xbe: {  	[sflag:s0] =	ssyncadd.remote.s32 $0x1  }
0xbf: {  	_ =	sfence.sel $0xFFFF  }
0xc0: {  	[dreg:$0x0] =	wrdreg $0xFFFFFFFF;
	(pc) =	sbr.abs _section_cstart, $3  }
0xc1: {  	[dreg:$0x1] =	wrdreg $0xFFFFFFFF  }
0xc2: {  	_ =	task.clear_ibuf [dreg:s7], $0x2FFFF;
	_ =	strace $0x9FFFFFFF  }
0xc3: {  	(tm) =	ssettm $0x7FFFFFFF  }
tec
execute0_lowered:
.L_overlay_start_1:
0x0: {  	(tag) =	ssettag $0x1  }
0x1: {  	s5 =	rddreg [dreg:$0x0]  }
0x2: {  	s10 =	rddreg [dreg:$0x1]  }
0x3: {  	s2 =	rddreg [dreg:$0x2];
	s4 =	srdreg.scid  }
0x4: {  	s1 =	stileid.u32;
	s3 =	simm.s32 $0x0;
	s16 =	simm.s32 $0x80  }
0x5: {  	s17 =	simm.s32 $0x2800;
	s18 =	simm.s32 $0x6800;
	s19 =	simm.s32 $0x1  }
0x6: {  	s20 =	simm.s32 $0x3;
	s28 =	simm.s32 $0x2780;
	s29 =	simm.s32 $0x0  }
0x7: {  	s6 =	sand.u32 $0x1, s4;
	s7 =	smul.u32 $0x2800, s1;
	[smem:$0x7FF] =	sst s3  }
0x8: {  	s4 =	sadd.s32 $0x5F400, s5;
	s9 =	sadd.s32 $0x2400, s5;
	s12 =	smul.u32 $0x50000, s1  }
0x9: {  	s30 =	sshll.u32 s1, $0x6;
	s8 =	smul.u32 $0x28000, s6;
	_ =	strace $0x8000004A  }
0xa: {  	s11 =	sshll.u32 s6, $0x4;
	s21 =	ssub.s32 $0x2, s6;
	s6 =	sor.u32 $0x1C05, s30  }
0xb: {  	s22 =	sor.u32 s1, s11;
	s23 =	sshrl.u32 s21, $0x1;
	s24 =	sshrl.u32 s12, $0x2  }
0xc: {  	s8 =	sadd.s32 s7, s8;
	s25 =	smul.u32 $0x2800, s22;
	s14 =	ssub.s32 s21, s23  }
0xd: {  	s15 =	sadd.s32 s24, s2;
	s26 =	smul.u32 $0x500, s22;
	s21 =	simm.s32 $0x100  }
0xe: {  	s22 =	simm.s32 $0x2;
	s23 =	simm.s32 $0x1480;
	s24 =	simm.s32 $0x4  }
0xf: {  	s13 =	sadd.s32 s8, s5;
	s5 =	sadd.s32 s4, s7;
	s12 =	smax.u32 s14, $0x1  }
0x10: {  	s14 =	simm.s32 $0x5;
	s31 =	sshrl.u32 s25, $0x3;
	s7 =	sadd.s32 s9, s26  }
0x11: {  	s8 =	sadd.s32 s10, s26;
	s25 =	simm.s32 $0x1380;
	s11 =	sadd.s32 $0x280, s31  }
0x12: {  	s26 =	simm.s32 $0x2700;
	s9 =	sadd.s32 s9, s11;
	s10 =	sadd.s32 s10, s11  }
0x13: {  	s11 =	sadd.s32 $0x87400, s13;
	s13 =	sshrl.u32 s15, $0x3;
	s15 =	simm.s32 $0x1400  }
.LBB2_1:
0x14: {  	[spmem:s13], [sflag:s6] =	dma.local [hbm:s5], $0x2800  }
0x15: {  	_ =	swait.ge [sflag:s14], $0x2800  }
0x16: {  	[sflag:s14] =	ssyncset.done $0x0  }
0x17: {  	[sflag:s14] =	ssyncadd.s32 $0xFFFFD800  }
0x18: {  	[bflag:$0x0] =	sbarrier.arrive $0xFFFF  }
0x19: {  	[tilespmem:s3], [sflag:$0x5] =	stream.linear.gather [hbm4b:s7+s3], $0x1400, $0x38;
	[tilespmem:$0x1E800] =	vst v63  }
0x1a: {  	_ =	swait.ge [sflag:s14], $0x1400  }
0x1b: {  	[sflag:s14] =	ssyncset.done $0x0  }
0x1c: {  	[sflag:s14] =	ssyncadd.s32 $0xFFFFEC00  }
0x1d: {  	[tilespmem:s15], [sflag:$0x5] =	stream.linear.gather [hbm4b:s8+s3], $0x1400, $0x38;
	[tilespmem:$0x1E800] =	vst v63  }
0x1e: {  	_ =	swait.ge [sflag:s14], $0x1400  }
0x1f: {  	[sflag:s14] =	ssyncset.done $0x0  }
0x20: {  	[sflag:s14] =	ssyncadd.s32 $0xFFFFEC00  }
0x21: {  	[tilespmem:s17], [sflag:$0x1] =	stream.indirect.gather [hbm4b:s4+s16], $0x80, s3, s16, $0xb8;
	[tilespmem:$0x1E800] =	vst v63  }
0x22: {  	_ = 	snop  }
0x23: {  	[tilespmem:s18], [sflag:$0x2] =	stream.indirect.gather [hbm4b:s4+s16], $0x80, s16, s16, $0xb8;
	[tilespmem:$0x1E800] =	vst v63  }
0x24: {  	_ =	swait.ge [sflag:s19], $0x4000  }
0x25: {  	[sflag:s19] =	ssyncset.done $0x0  }
0x26: {  	[sflag:s19] =	ssyncadd.s32 $0xFFFFC000  }
0x27: {  	[spmem:s2] =	stream.indirect.scatter.add.f32 [tilespmem:s17], [sflag:$0x3], $0x80, s15, s16, $0xb8;
	[tilespmem:$0x1E800] =	vst v63  }
0x28: {  	_ =	swait.ge [sflag:s20], $0x4000  }
0x29: {  	[sflag:s20] =	ssyncset.done $0x0  }
0x2a: {  	[sflag:s20] =	ssyncadd.s32 $0xFFFFC000  }
0x2b: {  	[tilespmem:s17], [sflag:$0x1] =	stream.indirect.gather [hbm4b:s4+s16], $0x80, s21, s16, $0xb8;
	[tilespmem:$0x1E800] =	vst v63  }
0x2c: {  	_ =	swait.ge [sflag:s22], $0x4000  }
0x2d: {  	[sflag:s22] =	ssyncset.done $0x0  }
0x2e: {  	[sflag:s22] =	ssyncadd.s32 $0xFFFFC000  }
0x2f: {  	[spmem:s2] =	stream.indirect.scatter.add.f32 [tilespmem:s18], [sflag:$0x4], $0x80, s23, s16, $0xb8;
	[tilespmem:$0x1E800] =	vst v63  }
0x30: {  	_ =	swait.ge [sflag:s24], $0x4000  }
0x31: {  	[sflag:s24] =	ssyncset.done $0x0  }
0x32: {  	s30 =	simm.s32 $0x180;
	[sflag:s24] =	ssyncadd.s32 $0xFFFFC000  }
0x33: {  	[tilespmem:s18], [sflag:$0x2] =	stream.indirect.gather [hbm4b:s4+s16], $0x80, s30, s16, $0xb8;
	[tilespmem:$0x1E800] =	vst v63  }
0x34: {  	_ =	swait.ge [sflag:s19], $0x4000  }
0x35: {  	[sflag:s19] =	ssyncset.done $0x0  }
0x36: {  	s30 =	simm.s32 $0x1500;
	[sflag:s19] =	ssyncadd.s32 $0xFFFFC000  }
0x37: {  	[spmem:s2] =	stream.indirect.scatter.add.f32 [tilespmem:s17], [sflag:$0x3], $0x80, s30, s16, $0xb8;
	[tilespmem:$0x1E800] =	vst v63  }
0x38: {  	_ =	swait.ge [sflag:s20], $0x4000  }
0x39: {  	[sflag:s20] =	ssyncset.done $0x0  }
0x3a: {  	s30 =	simm.s32 $0x200;
	[sflag:s20] =	ssyncadd.s32 $0xFFFFC000  }
0x3b: {  	[tilespmem:s17], [sflag:$0x1] =	stream.indirect.gather [hbm4b:s4+s16], $0x80, s30, s16, $0xb8;
	[tilespmem:$0x1E800] =	vst v63  }
0x3c: {  	_ =	swait.ge [sflag:s22], $0x4000  }
0x3d: {  	[sflag:s22] =	ssyncset.done $0x0  }
0x3e: {  	s31 =	simm.s32 $0x1580;
	s30 =	simm.s32 $0xFFFFBC00;
	[sflag:s22] =	ssyncadd.s32 $0xFFFFC000  }
.LBB2_2:
0x3f: {  	[spmem:s2] =	stream.indirect.scatter.add.f32 [tilespmem:s18], [sflag:$0x4], $0x80, s31, s16, $0xb8;
	[tilespmem:$0x1E800] =	vst v63  }
0x40: {  	s31 =	smov.u32 s30  }
0x41: {  	p0 =	sne.s32 s30, $0xFFFFFC00;
	s30 =	sadd.s32 $0x400, s30;
	_ =	swait.ge [sflag:s24], $0x4000  }
0x42: {  	s31 =	sshra.s32 s31, $0x2;
	[sflag:s24] =	ssyncset.done $0x0  }
0x43: {  	s0 =	sadd.s32 $0x1380, s31;
	[sflag:s24] =	ssyncadd.s32 $0xFFFFC000  }
0x44: {  	[tilespmem:s18], [sflag:$0x2] =	stream.indirect.gather [hbm4b:s4+s16], $0x80, s0, s16, $0xb8;
	[tilespmem:$0x1E800] =	vst v63  }
0x45: {  	_ =	swait.ge [sflag:s19], $0x4000  }
0x46: {  	[sflag:s19] =	ssyncset.done $0x0  }
0x47: {  	s0 =	sadd.s32 $0x2700, s31;
	[sflag:s19] =	ssyncadd.s32 $0xFFFFC000  }
0x48: {  	[spmem:s2] =	stream.indirect.scatter.add.f32 [tilespmem:s17], [sflag:$0x3], $0x80, s0, s16, $0xb8;
	[tilespmem:$0x1E800] =	vst v63  }
0x49: {  	_ =	swait.ge [sflag:s20], $0x4000  }
0x4a: {  	[sflag:s20] =	ssyncset.done $0x0  }
.Ltmp0:
0x4b: {  	s0 =	sadd.s32 $0x1400, s31;
	[sflag:s20] =	ssyncadd.s32 $0xFFFFC000;
	(pc) =	sbr.rel @p0 .LBB2_2-.Ltmp0, $4  }
0x4c: {  	[tilespmem:s17], [sflag:$0x1] =	stream.indirect.gather [hbm4b:s4+s16], $0x80, s0, s16, $0xb8;
	[tilespmem:$0x1E800] =	vst v63  }
0x4d: {  	_ =	swait.ge [sflag:s22], $0x4000  }
0x4e: {  	[sflag:s22] =	ssyncset.done $0x0  }
0x4f: {  	s31 =	sadd.s32 $0x2780, s31;
	[sflag:s22] =	ssyncadd.s32 $0xFFFFC000  }
0x50: {  	[spmem:s2] =	stream.indirect.scatter.add.f32 [tilespmem:s18], [sflag:$0x4], $0x80, s31, s16, $0xb8;
	[tilespmem:$0x1E800] =	vst v63  }
0x51: {  	_ =	swait.ge [sflag:s24], $0x4000  }
0x52: {  	[sflag:s24] =	ssyncset.done $0x0  }
0x53: {  	[sflag:s24] =	ssyncadd.s32 $0xFFFFC000  }
0x54: {  	[tilespmem:s18], [sflag:$0x2] =	stream.indirect.gather [hbm4b:s4+s16], $0x80, s25, s16, $0xb8;
	[tilespmem:$0x1E800] =	vst v63  }
0x55: {  	_ =	swait.ge [sflag:s19], $0x4000  }
0x56: {  	[sflag:s19] =	ssyncset.done $0x0  }
0x57: {  	[sflag:s19] =	ssyncadd.s32 $0xFFFFC000  }
0x58: {  	[spmem:s2] =	stream.indirect.scatter.add.f32 [tilespmem:s17], [sflag:$0x3], $0x80, s26, s16, $0xb8;
	[tilespmem:$0x1E800] =	vst v63  }
0x59: {  	_ =	swait.ge [sflag:s22], $0x4000  }
0x5a: {  	[sflag:s22] =	ssyncset.done $0x0  }
0x5b: {  	[sflag:s22] =	ssyncadd.s32 $0xFFFFC000  }
0x5c: {  	[spmem:s2] =	stream.indirect.scatter.add.f32 [tilespmem:s18], [sflag:$0x4], $0x80, s28, s16, $0xb8;
	[tilespmem:$0x1E800] =	vst v63  }
0x5d: {  	_ =	swait.ge [sflag:s20], $0x4000  }
0x5e: {  	[sflag:s20] =	ssyncset.done $0x0  }
0x5f: {  	[sflag:s20] =	ssyncadd.s32 $0xFFFFC000  }
0x60: {  	_ =	swait.ge [sflag:s24], $0x4000  }
0x61: {  	[sflag:s24] =	ssyncset.done $0x0  }
0x62: {  	[sflag:s24] =	ssyncadd.s32 $0xFFFFC000  }
0x63: {  	[tilespmem:s3], [sflag:$0x5] =	stream.linear.gather [hbm4b:s9+s3], $0x1400, $0x38;
	[tilespmem:$0x1E800] =	vst v63  }
0x64: {  	_ =	swait.ge [sflag:s14], $0x1400  }
0x65: {  	[sflag:s14] =	ssyncset.done $0x0  }
0x66: {  	[sflag:s14] =	ssyncadd.s32 $0xFFFFEC00  }
0x67: {  	[tilespmem:s15], [sflag:$0x5] =	stream.linear.gather [hbm4b:s10+s3], $0x1400, $0x38;
	[tilespmem:$0x1E800] =	vst v63  }
0x68: {  	_ =	swait.ge [sflag:s14], $0x1400  }
0x69: {  	[sflag:s14] =	ssyncset.done $0x0  }
0x6a: {  	[sflag:s14] =	ssyncadd.s32 $0xFFFFEC00  }
0x6b: {  	[tilespmem:s17], [sflag:$0x1] =	stream.indirect.gather [hbm4b:s4+s16], $0x80, s3, s16, $0xb8;
	[tilespmem:$0x1E800] =	vst v63  }
0x6c: {  	_ = 	snop  }
0x6d: {  	[tilespmem:s18], [sflag:$0x2] =	stream.indirect.gather [hbm4b:s4+s16], $0x80, s16, s16, $0xb8;
	[tilespmem:$0x1E800] =	vst v63  }
0x6e: {  	_ =	swait.ge [sflag:s19], $0x4000  }
0x6f: {  	[sflag:s19] =	ssyncset.done $0x0  }
0x70: {  	[sflag:s19] =	ssyncadd.s32 $0xFFFFC000  }
0x71: {  	[spmem:s2] =	stream.indirect.scatter.add.f32 [tilespmem:s17], [sflag:$0x3], $0x80, s15, s16, $0xb8;
	[tilespmem:$0x1E800] =	vst v63  }
0x72: {  	_ =	swait.ge [sflag:s20], $0x4000  }
0x73: {  	[sflag:s20] =	ssyncset.done $0x0  }
0x74: {  	[sflag:s20] =	ssyncadd.s32 $0xFFFFC000  }
0x75: {  	[tilespmem:s17], [sflag:$0x1] =	stream.indirect.gather [hbm4b:s4+s16], $0x80, s21, s16, $0xb8;
	[tilespmem:$0x1E800] =	vst v63  }
0x76: {  	_ =	swait.ge [sflag:s22], $0x4000  }
0x77: {  	[sflag:s22] =	ssyncset.done $0x0  }
0x78: {  	[sflag:s22] =	ssyncadd.s32 $0xFFFFC000  }
0x79: {  	[spmem:s2] =	stream.indirect.scatter.add.f32 [tilespmem:s18], [sflag:$0x4], $0x80, s23, s16, $0xb8;
	[tilespmem:$0x1E800] =	vst v63  }
0x7a: {  	_ =	swait.ge [sflag:s24], $0x4000  }
0x7b: {  	[sflag:s24] =	ssyncset.done $0x0  }
0x7c: {  	s0 =	simm.s32 $0x180;
	[sflag:s24] =	ssyncadd.s32 $0xFFFFC000  }
0x7d: {  	[tilespmem:s18], [sflag:$0x2] =	stream.indirect.gather [hbm4b:s4+s16], $0x80, s0, s16, $0xb8;
	[tilespmem:$0x1E800] =	vst v63  }
0x7e: {  	_ =	swait.ge [sflag:s19], $0x4000  }
0x7f: {  	[sflag:s19] =	ssyncset.done $0x0  }
0x80: {  	s0 =	simm.s32 $0x1500;
	[sflag:s19] =	ssyncadd.s32 $0xFFFFC000  }
0x81: {  	[spmem:s2] =	stream.indirect.scatter.add.f32 [tilespmem:s17], [sflag:$0x3], $0x80, s0, s16, $0xb8;
	[tilespmem:$0x1E800] =	vst v63  }
0x82: {  	_ =	swait.ge [sflag:s20], $0x4000  }
0x83: {  	[sflag:s20] =	ssyncset.done $0x0  }
0x84: {  	s0 =	simm.s32 $0x200;
	[sflag:s20] =	ssyncadd.s32 $0xFFFFC000  }
0x85: {  	[tilespmem:s17], [sflag:$0x1] =	stream.indirect.gather [hbm4b:s4+s16], $0x80, s0, s16, $0xb8;
	[tilespmem:$0x1E800] =	vst v63  }
0x86: {  	_ =	swait.ge [sflag:s22], $0x4000  }
0x87: {  	[sflag:s22] =	ssyncset.done $0x0  }
0x88: {  	s30 =	simm.s32 $0xFFFFBC00;
	s31 =	simm.s32 $0x1580;
	[sflag:s22] =	ssyncadd.s32 $0xFFFFC000  }
.LBB2_4:
0x89: {  	[spmem:s2] =	stream.indirect.scatter.add.f32 [tilespmem:s18], [sflag:$0x4], $0x80, s31, s16, $0xb8;
	[tilespmem:$0x1E800] =	vst v63  }
0x8a: {  	s0 =	smov.u32 s30  }
0x8b: {  	p0 =	sne.s32 s30, $0xFFFFFC00;
	s30 =	sadd.s32 $0x400, s30;
	_ =	swait.ge [sflag:s24], $0x4000  }
0x8c: {  	s0 =	sshra.s32 s0, $0x2;
	[sflag:s24] =	ssyncset.done $0x0  }
0x8d: {  	s31 =	sadd.s32 $0x1380, s0;
	[sflag:s24] =	ssyncadd.s32 $0xFFFFC000  }
0x8e: {  	[tilespmem:s18], [sflag:$0x2] =	stream.indirect.gather [hbm4b:s4+s16], $0x80, s31, s16, $0xb8;
	[tilespmem:$0x1E800] =	vst v63  }
0x8f: {  	_ =	swait.ge [sflag:s19], $0x4000  }
0x90: {  	[sflag:s19] =	ssyncset.done $0x0  }
0x91: {  	s31 =	sadd.s32 $0x2700, s0;
	[sflag:s19] =	ssyncadd.s32 $0xFFFFC000  }
0x92: {  	[spmem:s2] =	stream.indirect.scatter.add.f32 [tilespmem:s17], [sflag:$0x3], $0x80, s31, s16, $0xb8;
	[tilespmem:$0x1E800] =	vst v63  }
0x93: {  	_ =	swait.ge [sflag:s20], $0x4000  }
0x94: {  	[sflag:s20] =	ssyncset.done $0x0  }
.Ltmp1:
0x95: {  	s31 =	sadd.s32 $0x1400, s0;
	[sflag:s20] =	ssyncadd.s32 $0xFFFFC000;
	(pc) =	sbr.rel @p0 .LBB2_4-.Ltmp1, $4  }
0x96: {  	[tilespmem:s17], [sflag:$0x1] =	stream.indirect.gather [hbm4b:s4+s16], $0x80, s31, s16, $0xb8;
	[tilespmem:$0x1E800] =	vst v63  }
0x97: {  	_ =	swait.ge [sflag:s22], $0x4000  }
0x98: {  	[sflag:s22] =	ssyncset.done $0x0  }
0x99: {  	s31 =	sadd.s32 $0x2780, s0;
	[sflag:s22] =	ssyncadd.s32 $0xFFFFC000  }
0x9a: {  	[spmem:s2] =	stream.indirect.scatter.add.f32 [tilespmem:s18], [sflag:$0x4], $0x80, s31, s16, $0xb8;
	[tilespmem:$0x1E800] =	vst v63  }
0x9b: {  	_ =	swait.ge [sflag:s24], $0x4000  }
0x9c: {  	[sflag:s24] =	ssyncset.done $0x0  }
0x9d: {  	[sflag:s24] =	ssyncadd.s32 $0xFFFFC000  }
0x9e: {  	[tilespmem:s18], [sflag:$0x2] =	stream.indirect.gather [hbm4b:s4+s16], $0x80, s25, s16, $0xb8;
	[tilespmem:$0x1E800] =	vst v63  }
0x9f: {  	_ =	swait.ge [sflag:s19], $0x4000  }
0xa0: {  	[sflag:s19] =	ssyncset.done $0x0  }
0xa1: {  	[sflag:s19] =	ssyncadd.s32 $0xFFFFC000  }
0xa2: {  	[spmem:s2] =	stream.indirect.scatter.add.f32 [tilespmem:s17], [sflag:$0x3], $0x80, s26, s16, $0xb8;
	[tilespmem:$0x1E800] =	vst v63  }
0xa3: {  	_ =	swait.ge [sflag:s22], $0x4000  }
0xa4: {  	[sflag:s22] =	ssyncset.done $0x0  }
0xa5: {  	[sflag:s22] =	ssyncadd.s32 $0xFFFFC000  }
0xa6: {  	[spmem:s2] =	stream.indirect.scatter.add.f32 [tilespmem:s18], [sflag:$0x4], $0x80, s28, s16, $0xb8;
	[tilespmem:$0x1E800] =	vst v63  }
0xa7: {  	_ =	swait.ge [sflag:s20], $0x4000  }
0xa8: {  	[sflag:s20] =	ssyncset.done $0x0  }
0xa9: {  	[sflag:s20] =	ssyncadd.s32 $0xFFFFC000  }
0xaa: {  	_ =	swait.ge [sflag:s24], $0x4000  }
0xab: {  	s29 =	sadd.s32 $0x1, s29;
	[sflag:s24] =	ssyncset.done $0x0  }
0xac: {  	p0 =	sne.s32 s29, s12;
	[sflag:s24] =	ssyncadd.s32 $0xFFFFC000  }
.Ltmp2:
0xad: {  	[bflag:$0x0] =	sbarrier.arrive $0xFFFF;
	(pc) =	sbr.rel @p0 .LBB2_1-.Ltmp2, $4  }
0xae: {  	[hbm:s11], [sflag:s6] =	dma.local [spmem:s13], $0x2800  }
0xaf: {  	_ =	swait.ge [sflag:s14], $0x2800  }
0xb0: {  	[sflag:s14] =	ssyncset.done $0x0  }
0xb1: {  	[sflag:s14] =	ssyncadd.s32 $0xFFFFD800  }
0xb2: {  	_ =	sfence.sel $0x180000  }
0xb3: {  	[bflag:$0x0] =	sbarrier.arrive $0xFFFF  }
0xb4: {  	_ =	strace $0x9000004A  }
0xb5: {  	[bflag:$0x2] =	sbarrier.arrive $0xFFFF  }
0xb6: {  	p0 =	sne.s32 s1, $0x0;
	s0 =	rddreg [dreg:$0x3]  }
0xb7: {  	s0 =	sadd.s32 @!p0 $0x100000, s0  }
0xb8: {  	[sflag:s0] =	ssyncadd.tile.s32 @!p0 $0x1;
	_ =	shalt  }
.Lfunc_end2:
_tile_overlayer_lowered:
.L_overlay_start_2:
0xb9: {  	(tag) =	ssettag $0x2  }
0xba: {  	s0 =	rddreg [dreg:$0x0];
	s2 =	stileid.u32  }
0xbb: {  	s1 =	rddreg [dreg:$0x1];
	p0 =	sne.s32 s2, $0x0  }
0xbc: {  	s3 =	rddreg [dreg:$0x2];
	[bflag:$0x3] =	sbarrier.arrive $0xFFFF;
	s2 =	simm.s32 @!p0 $0x1C05  }
0xbd: {  	[timem:s3], [sflag:s2] =	dma.local @!p0 [hbm:s0], s1  }
0xbe: {  	s0 =	simm.s32 @!p0 $0x5  }
0xbf: {  	_ =	swait.ge @!p0 [sflag:s0], s1  }
0xc0: {  	s1 =	ssub.s32 @!p0 $0x0, s1;
	[sflag:s0] =	ssyncset.done @!p0 $0x0  }
0xc1: {  	[sflag:s0] =	ssyncadd.s32 @!p0 s1  }
0xc2: {  	[bflag:$0x3] =	sbarrier.arrive $0xFFFF  }
0xc3: {  	_ =	shalt  }

// kernel: kernel.7.cloned.1.call-start
scs
__scs_entry_jumppad:
0x0: {  	(pc) =	sbr.rel $0x88, $3  }
0x1: {  	(tag) =	ssettag $0x0;
	lr =	simm.s32 $0x1  }
0x2: {  	[smem:$0x3F99] =	sst lr;
	_ =	strace $0xD0000000  }
0x3: {  	_ = 	snop  }
0x4: {  	_ = 	snop  }
0x5: {  	_ = 	snop  }
0x6: {  	_ = 	snop  }
0x7: {  	_ = 	snop  }
__scs_overlays_trampoline_lowered:
0x8: {  	[smem:$0x3FA8] =	sst s0  }
0x9: {  	[smem:$0x3FA9] =	sst s1  }
0xa: {  	[smem:$0x3FAA] =	sst s2  }
0xb: {  	[smem:$0x3FAB] =	sst s3  }
0xc: {  	[smem:$0x3FAC] =	sst s4  }
0xd: {  	[smem:$0x3FAD] =	sst s5  }
0xe: {  	[smem:$0x3FAE] =	sst s6  }
0xf: {  	[smem:$0x3FAF] =	sst s7  }
0x10: {  	[smem:$0x3FB0] =	sst s8  }
0x11: {  	[smem:$0x3FB1] =	sst s9;
	s0 =	simm.s32 @!p0 $0x0  }
0x12: {  	s1 =	sld [smem:$0x3F97];
	s0 =	simm.s32 @p0 $0x1  }
0x13: {  	[smem:$0x3FB2] =	sst s0;
	s0 =	simm.s32 @!p1 $0x0  }
0x14: {  	s2 =	sld [smem:$0x3F96];
	s0 =	simm.s32 @p1 $0x1  }
0x15: {  	[smem:$0x3FB3] =	sst s0;
	s0 =	simm.s32 @!p2 $0x0  }
0x16: {  	s3 =	sld [smem:$0x3FDB];
	s0 =	simm.s32 @p2 $0x1  }
0x17: {  	s4 =	simm.s32 $0x1BF5;
	[smem:$0x3FB5] =	sst s0  }
0x18: {  	s0 =	sld [smem:$0x3F98];
	_ =	swait.ge [sflag:s4], $0x0  }
0x19: {  	s7 =	sld [smem:$0x3F99]  }
0x1a: {  	s8 =	sadd.s32 $0xFFFFE003, lr  }
0x1b: {  	s9 =	sadd.s32 $0xFFFFFEF7, lr;
	s5 =	simm.s32 $0xFFFFFFFF;
	p2 =	slt.u32 s8, $0xFFFFF086  }
0x1c: {  	p1 =	slt.u32 s9, $0xF7A;
	s5 =	simm.s32 @!p2 $0x0  }
0x1d: {  	s5 =	simm.s32 @p1 $0x1;
	p0 =	seq.s32 s7, s2  }
0x1e: {  	s7 =	smul.u32 @!p0 $0xF7A, s2;
	p2 =	seq.s32 @!p0 s5, $0x0  }
0x1f: {  	s9 =	smul.u32 $0xF7A, s1;
	s8 =	simm.s32 @!p0 $0x1BF5;
	p2 =	por !p2, p0  }
0x20: {  	[sflag:s8] =	ssyncset.s32 @!p0 $0xFFFFF086;
	s6 =	sadd.s32 @!p0 s3, s7;
	s7 =	simm.s32 @!p0 $0x108  }
0x21: {  	s3 =	sadd.s32 s3, s9;
	s6 =	sadd.s32 @!p0 $0x88, s6;
	s7 =	simm.s32 @p2 $0x1082  }
0x22: {  	[simem:s7], [sflag:s8] =	dma.local @!p0 [hbm:s6], $0xF7A  }
0x23: {  	s9 =	sor.u32 $0xD0000000, s2;
	s6 =	simm.s32 $0x108;
	_ =	swait.ge @!p0 [sflag:s8], $0x0  }
0x24: {  	s3 =	sadd.s32 $0x88, s3;
	s6 =	simm.s32 @!p1 $0x1082;
	[sflag:s4] =	ssyncset.s32 $0xFFFFF086  }
0x25: {  	[simem:s6], [sflag:s4] =	dma.local [hbm:s3], $0xF7A  }
0x26: {  	[smem:$0x3F99] =	sst s1;
	(tag) =	ssettag s2;
	_ =	strace s9  }
0x27: {  	s1 =	sld [smem:$0x3FA9]  }
0x28: {  	s2 =	sld [smem:$0x3FAA]  }
0x29: {  	s4 =	sld [smem:$0x3FAC]  }
0x2a: {  	p0 =	seq.s32 s5, $0x0;
	s5 =	sld [smem:$0x3FAD]  }
0x2b: {  	s6 =	sld [smem:$0x3FAE]  }
0x2c: {  	s7 =	sld [smem:$0x3FAF]  }
0x2d: {  	s3 =	simm.s32 $0x108;
	s8 =	sld [smem:$0x3FB0]  }
0x2e: {  	s3 =	simm.s32 @!p0 $0x1082;
	s9 =	sld [smem:$0x3FB1]  }
0x2f: {  	lr =	sadd.s32 s0, s3;
	s0 =	sld [smem:$0x3FA8]  }
0x30: {  	s3 =	sld [smem:$0x3FAB]  }
0x31: {  	[smem:$0x3FB4] =	sst s10  }
0x32: {  	s10 =	sld [smem:$0x3FB2];
	_ =	sdelay $0x3  }
0x33: {  	p0 =	seq.s32 s10, $0x1;
	s10 =	sld [smem:$0x3FB4];
	_ =	sdelay $0x3  }
0x34: {  	[smem:$0x3FB4] =	sst s10  }
0x35: {  	s10 =	sld [smem:$0x3FB3];
	_ =	sdelay $0x3  }
0x36: {  	p1 =	seq.s32 s10, $0x1;
	s10 =	sld [smem:$0x3FB4];
	_ =	sdelay $0x3  }
0x37: {  	[smem:$0x3FB4] =	sst s10  }
0x38: {  	s10 =	sld [smem:$0x3FB5]  }
0x39: {  	_ = 	snop;
	(pc) =	sbr.ind lr, $3  }
0x3a: {  	_ = 	snop  }
0x3b: {  	_ = 	snop  }
0x3c: {  	p2 =	seq.s32 s10, $0x1;
	s10 =	sld [smem:$0x3FB4]  }
0x3d: {  	_ =	shalt  }
0x3e: {  	_ =	shalt  }
0x3f: {  	_ =	shalt  }
0x40: {  	_ =	shalt  }
0x41: {  	_ =	shalt  }
0x42: {  	_ =	shalt  }
0x43: {  	_ =	shalt  }
0x44: {  	_ =	shalt  }
0x45: {  	_ =	shalt  }
0x46: {  	_ =	shalt  }
0x47: {  	_ =	shalt  }
0x48: {  	_ =	shalt  }
0x49: {  	_ =	shalt  }
0x4a: {  	_ =	shalt  }
0x4b: {  	_ =	shalt  }
0x4c: {  	_ =	shalt  }
0x4d: {  	_ =	shalt  }
0x4e: {  	_ =	shalt  }
0x4f: {  	_ =	shalt  }
0x50: {  	_ =	shalt  }
0x51: {  	_ =	shalt  }
0x52: {  	_ =	shalt  }
0x53: {  	_ =	shalt  }
0x54: {  	_ =	shalt  }
0x55: {  	_ =	shalt  }
0x56: {  	_ =	shalt  }
0x57: {  	_ =	shalt  }
0x58: {  	_ =	shalt  }
0x59: {  	_ =	shalt  }
0x5a: {  	_ =	shalt  }
0x5b: {  	_ =	shalt  }
0x5c: {  	_ =	shalt  }
0x5d: {  	_ =	shalt  }
0x5e: {  	_ =	shalt  }
0x5f: {  	_ =	shalt  }
0x60: {  	_ =	shalt  }
0x61: {  	_ =	shalt  }
0x62: {  	_ =	shalt  }
0x63: {  	_ =	shalt  }
0x64: {  	_ =	shalt  }
0x65: {  	_ =	shalt  }
0x66: {  	_ =	shalt  }
0x67: {  	_ =	shalt  }
0x68: {  	_ =	shalt  }
0x69: {  	_ =	shalt  }
0x6a: {  	_ =	shalt  }
0x6b: {  	_ =	shalt  }
0x6c: {  	_ =	shalt  }
0x6d: {  	_ =	shalt  }
0x6e: {  	_ =	shalt  }
0x6f: {  	_ =	shalt  }
0x70: {  	_ =	shalt  }
0x71: {  	_ =	shalt  }
0x72: {  	_ =	shalt  }
0x73: {  	_ =	shalt  }
0x74: {  	_ =	shalt  }
0x75: {  	_ =	shalt  }
0x76: {  	_ =	shalt  }
0x77: {  	_ =	shalt  }
0x78: {  	_ =	shalt  }
0x79: {  	_ =	shalt  }
0x7a: {  	_ =	shalt  }
0x7b: {  	_ =	shalt  }
0x7c: {  	_ =	shalt  }
0x7d: {  	_ =	shalt  }
0x7e: {  	_ =	shalt  }
0x7f: {  	_ =	shalt  }
0x80: {  	_ =	shalt  }
0x81: {  	_ =	shalt  }
0x82: {  	_ =	shalt  }
0x83: {  	_ =	shalt  }
0x84: {  	_ =	shalt  }
0x85: {  	_ =	shalt  }
0x86: {  	_ =	shalt  }
0x87: {  	_ =	shalt  }
.Lfunc_end0:
.L_simem_size_0:
called_computation_lowered:
.L_overlay_start_0:
0x88: {  	s2 =	sld [smem:$0x3FD9]  }
0x89: {  	s3 =	sld [smem:$0x3FFE];
	_ =	sdelay $0x1  }
0x8a: {  	s1 =	srdreg.scid  }
0x8b: {  	s0 =	sand.u32 $0x1, s1  }
0x8c: {  	s17 =	sshll.u32 s0, $0xA;
	s2 =	sadd.s32 s3, s2  }
0x8d: {  	s2 =	sadd.s32 s2, s17  }
0x8e: {  	[smem:$0x3FC0] =	sst s2  }
0x8f: {  	_ = 	snop  }
0x90: {  	s2 =	sld [smem:$0x3FD0];
	(tm) =	ssettm $0x1  }
0x91: {  	s18 =	sld [smem:$0x3FFB];
	_ =	sdelay $0x3  }
0x92: {  	_ =	strace s18  }
0x93: {  	s3 =	sld [smem:$0x3FFC];
	_ =	sdelay $0x3  }
0x94: {  	_ =	strace s3  }
0x95: {  	s3 =	sld [smem:$0x3FFD];
	_ =	sdelay $0x3  }
0x96: {  	_ =	strace s3  }
0x97: {  	_ =	strace $0x8FFFFFFF  }
0x98: {  	s19 =	sld [smem:$0x3FDB];
	_ =	sdelay $0x1  }
0x99: {  	s4 =	simm.s32 $_scs_section_size  }
0x9a: {  	s5 =	simm.s32 $_size__tile_overlayer_lowered;
	s6 =	simm.s32 $_tile_overlayer_lowered  }
0x9b: {  	s22 =	simm.s32 $0x1BFF;
	s21 =	sshll.u32 s6, $0x1;
	s3 =	sadd.s32 s4, s19  }
0x9c: {  	s7 =	simm.s32 $0x0;
	s20 =	sshll.u32 s5, $0x1;
	s5 =	sadd.s32 s21, s3  }
0x9d: {  	[timem:s7], [sflag:s22] =	dma.local [hbm:s5], s20  }
0x9e: {  	_ =	swait.ge [sflag:s22], s20  }
0x9f: {  	s4 =	ssub.s32 $0x0, s20;
	[sflag:s22] =	ssyncset.done $0x0  }
0xa0: {  	[sflag:s22] =	ssyncadd.s32 s4;
	_ =	sdelay $0x1  }
0xa1: {  	s23 =	simm.s32 $0x1B8B  }
0xa2: {  	_ =	swait.ge [sflag:s23], $0x1  }
0xa3: {  	[sflag:s23] =	ssyncset.done $0x0  }
0xa4: {  	s25 =	simm.s32 $0x1B8E;
	s24 =	sld [smem:$0x3FFE];
	[sflag:s23] =	ssyncadd.s32 $0xFFFFFFFF  }
0xa5: {  	s26 =	simm.s32 $execute0_lowered;
	[smem:$0x3FD2] =	sst s25  }
0xa6: {  	s5 =	sshll.u32 s26, $0x1;
	_ =	strace $0x80000046;
	[dreg:$0x1] =	wrdreg $0xFFFFFFFF  }
0xa7: {  	s28 =	simm.s32 $_size_execute0_lowered;
	s3 =	sadd.s32 s3, s5;
	[dreg:$0x0] =	wrdreg $0x0  }
0xa8: {  	s5 =	sshll.u32 s28, $0x1;
	[dreg:$0x2] =	wrdreg s3  }
0xa9: {  	[dreg:$0x3] =	wrdreg s5  }
0xaa: {  	[dreg:$0x4] =	wrdreg $0xC0  }
0xab: {  	_ =	task [dreg:s7], $0x5FFFF  }
0xac: {  	[dreg:$0x1] =	wrdreg $0xFFFFFFFF  }
0xad: {  	[dreg:$0x0] =	wrdreg $0x60  }
0xae: {  	[dreg:$0x2] =	wrdreg s2  }
0xaf: {  	[dreg:$0x3] =	wrdreg s24  }
0xb0: {  	[dreg:$0x4] =	wrdreg $0x68000  }
0xb1: {  	[dreg:$0x5] =	wrdreg $0x9  }
0xb2: {  	_ =	task.clear_ibuf [dreg:s7], $0x6FFFF;
	_ =	strace $0x90000046  }
0xb3: {  	s29 =	simm.s32 $0x9;
	_ =	strace $0x80000048  }
0xb4: {  	_ =	swait.ge [sflag:s29], $0x1  }
0xb5: {  	[sflag:s29] =	ssyncadd.s32 $0xFFFFFFFF  }
0xb6: {  	_ =	strace $0x90000048  }
0xb7: {  	_ =	sfence  }
0xb8: {  	s30 =	sld [smem:$0x0];
	_ =	sdelay $0x2  }
0xb9: {  	s31 =	sshll.u32 s1, $0xD;
	s1 =	sshrl.u32 s1, $0x2  }
0xba: {  	s3 =	sand.u32 $0x4000, s31;
	s1 =	sadd.s32 s1, s30  }
0xbb: {  	s0 =	sor.u32 s3, s0;
	s1 =	sshll.u32 s1, $0x11  }
0xbc: {  	s0 =	sor.u32 s1, s0  }
0xbd: {  	s0 =	sadd.s32 $0x8F2B, s0  }
0xbe: {  	[sflag:s0] =	ssyncadd.remote.s32 $0x1  }
0xbf: {  	_ =	sfence.sel $0xFFFF  }
0xc0: {  	[dreg:$0x0] =	wrdreg $0xFFFFFFFF;
	(pc) =	sbr.abs _section_cstart, $3  }
0xc1: {  	[dreg:$0x1] =	wrdreg $0xFFFFFFFF  }
0xc2: {  	_ =	task.clear_ibuf [dreg:s7], $0x2FFFF;
	_ =	strace $0x9FFFFFFF  }
0xc3: {  	(tm) =	ssettm $0x7FFFFFFF  }
tec
execute0_lowered:
.L_overlay_start_1:
0x0: {  	(tag) =	ssettag $0x1  }
0x1: {  	s6 =	rddreg [dreg:$0x0]  }
0x2: {  	s7 =	rddreg [dreg:$0x1]  }
0x3: {  	s2 =	rddreg [dreg:$0x2];
	s3 =	srdreg.scid  }
0x4: {  	s0 =	rddreg [dreg:$0x3];
	s1 =	stileid.u32;
	s13 =	simm.s32 $0x80  }
0x5: {  	s14 =	simm.s32 $0x1;
	s15 =	simm.s32 $0x2;
	s16 =	simm.s32 $0x0  }
0x6: {  	s5 =	sand.u32 $0x1, s3;
	s3 =	simm.s32 $0x0;
	s8 =	smul.u32 $0x2800, s1  }
0x7: {  	s11 =	smul.u32 $0x50000, s1;
	s31 =	sshll.u32 s1, $0x6;
	s4 =	sshll.u32 s5, $0x4  }
0x8: {  	[smem:$0x7FF] =	sst s3;
	s9 =	smul.u32 $0x28000, s5;
	s28 =	ssub.s32 $0x2, s5  }
0x9: {  	s5 =	sadd.s32 $0xCC00, s7;
	s10 =	sor.u32 s1, s4;
	_ =	strace $0x80000047  }
0xa: {  	s4 =	sadd.s32 $0xC400, s7;
	s29 =	sshrl.u32 s28, $0x1;
	s30 =	sshrl.u32 s11, $0x2  }
0xb: {  	s11 =	sor.u32 $0x1C03, s31;
	s10 =	smul.u32 $0x500, s10;
	s8 =	sadd.s32 s8, s9  }
0xc: {  	s12 =	sadd.s32 s30, s2;
	s9 =	simm.s32 $0x2800;
	s7 =	sadd.s32 s8, s7  }
0xd: {  	s8 =	ssub.s32 s28, s29;
	s12 =	sshrl.u32 s12, $0x3;
	s6 =	sadd.s32 s6, s10  }
0xe: {  	s7 =	sadd.s32 $0xF400, s7;
	s8 =	smax.u32 s8, $0x1;
	s10 =	simm.s32 $0x3  }
.LBB2_1:
0xf: {  	[tilespmem:s9], [sflag:$0x3] =	stream.linear.gather [hbm4b:s4+s3], $0x4000, $0x38;
	[tilespmem:$0x1A800] =	vst v63  }
0x10: {  	_ =	swait.ge [sflag:s10], $0x4000  }
0x11: {  	[sflag:s10] =	ssyncset.done $0x0  }
0x12: {  	[sflag:s10] =	ssyncadd.s32 $0xFFFFC000  }
0x13: {  	[tilespmem:s3], [sflag:$0x3] =	stream.linear.gather [hbm4b:s6+s3], $0x2800, $0x38;
	[tilespmem:$0x1A800] =	vst v63  }
0x14: {  	_ =	swait.ge [sflag:s10], $0x2800  }
0x15: {  	[sflag:s10] =	ssyncset.done $0x0  }
0x16: {  	[sflag:s10] =	ssyncadd.s32 $0xFFFFD800  }
0x17: {  	[spmem:s12], [sflag:s11] =	dma.local [hbm:s5], $0x2800  }
0x18: {  	_ =	swait.ge [sflag:s10], $0x2800  }
0x19: {  	[sflag:s10] =	ssyncset.done $0x0  }
0x1a: {  	[sflag:s10] =	ssyncadd.s32 $0xFFFFD800  }
0x1b: {  	[bflag:$0x0] =	sbarrier.arrive $0xFFFF  }
0x1c: {  	[spmem:s2] =	stream.indirect.scatter.add.f32 [tilespmem:s9], [sflag:$0x1], $0x80, s3, s13, $0xb8;
	[tilespmem:$0x1A800] =	vst v63  }
0x1d: {  	_ = 	snop  }
0x1e: {  	[spmem:s2] =	stream.indirect.scatter.add.f32 [tilespmem:s9], [sflag:$0x2], $0x80, s13, s13, $0xb8;
	[tilespmem:$0x1A800] =	vst v63  }
0x1f: {  	_ =	swait.ge [sflag:s14], $0x4000  }
0x20: {  	[sflag:s14] =	ssyncset.done $0x0  }
0x21: {  	[sflag:s14] =	ssyncadd.s32 $0xFFFFC000  }
0x22: {  	_ =	swait.ge [sflag:s15], $0x4000  }
0x23: {  	[sflag:s15] =	ssyncset.done $0x0  }
0x24: {  	s17 =	simm.s32 $0x100;
	[sflag:s15] =	ssyncadd.s32 $0xFFFFC000  }
0x25: {  	[spmem:s2] =	stream.indirect.scatter.add.f32 [tilespmem:s9], [sflag:$0x1], $0x80, s17, s13, $0xb8;
	[tilespmem:$0x1A800] =	vst v63  }
0x26: {  	s18 =	simm.s32 $0x180;
	s17 =	simm.s32 $0xFFFF6800  }
.LBB2_2:
0x27: {  	[spmem:s2] =	stream.indirect.scatter.add.f32 [tilespmem:s9], [sflag:$0x2], $0x80, s18, s13, $0xb8;
	[tilespmem:$0x1A800] =	vst v63  }
0x28: {  	s18 =	smov.u32 s17  }
0x29: {  	p0 =	sne.s32 s17, $0xFFFFFC00;
	s17 =	sadd.s32 $0x400, s17;
	_ =	swait.ge [sflag:s14], $0x4000  }
0x2a: {  	[sflag:s14] =	ssyncset.done $0x0  }
0x2b: {  	[sflag:s14] =	ssyncadd.s32 $0xFFFFC000  }
.Ltmp0:
0x2c: {  	_ =	swait.ge [sflag:s15], $0x4000;
	(pc) =	sbr.rel @p0 .LBB2_2-.Ltmp0, $4  }
0x2d: {  	s18 =	sshra.s32 s18, $0x2;
	[sflag:s15] =	ssyncset.done $0x0  }
0x2e: {  	s19 =	sadd.s32 $0x2800, s18;
	[sflag:s15] =	ssyncadd.s32 $0xFFFFC000  }
0x2f: {  	[spmem:s2] =	stream.indirect.scatter.add.f32 [tilespmem:s9], [sflag:$0x1], $0x80, s19, s13, $0xb8;
	[tilespmem:$0x1A800] =	vst v63  }
0x30: {  	s18 =	sadd.s32 $0x2880, s18  }
0x31: {  	[spmem:s2] =	stream.indirect.scatter.add.f32 [tilespmem:s9], [sflag:$0x2], $0x80, s18, s13, $0xb8;
	[tilespmem:$0x1A800] =	vst v63  }
0x32: {  	_ =	swait.ge [sflag:s14], $0x4000  }
0x33: {  	[sflag:s14] =	ssyncset.done $0x0  }
0x34: {  	[sflag:s14] =	ssyncadd.s32 $0xFFFFC000  }
0x35: {  	_ =	swait.ge [sflag:s15], $0x4000  }
0x36: {  	s16 =	sadd.s32 $0x1, s16;
	[sflag:s15] =	ssyncset.done $0x0  }
0x37: {  	p0 =	sne.s32 s16, s8;
	[sflag:s15] =	ssyncadd.s32 $0xFFFFC000  }
.Ltmp1:
0x38: {  	[bflag:$0x0] =	sbarrier.arrive $0xFFFF;
	(pc) =	sbr.rel @p0 .LBB2_1-.Ltmp1, $4  }
0x39: {  	[hbm:s7], [sflag:s11] =	dma.local [spmem:s12], $0x2800  }
0x3a: {  	_ =	swait.ge [sflag:s10], $0x2800  }
0x3b: {  	[sflag:s10] =	ssyncset.done $0x0  }
0x3c: {  	[sflag:s10] =	ssyncadd.s32 $0xFFFFD800  }
0x3d: {  	_ =	sfence.sel $0x180000  }
0x3e: {  	[bflag:$0x0] =	sbarrier.arrive $0xFFFF  }
0x3f: {  	p0 =	sne.s32 s1, $0x0;
	_ =	strace $0x90000047  }
0x40: {  	s0 =	sadd.s32 @!p0 $0x100000, s0;
	[bflag:$0x2] =	sbarrier.arrive $0xFFFF  }
0x41: {  	[sflag:s0] =	ssyncadd.tile.s32 @!p0 $0x1;
	_ =	shalt  }
.Lfunc_end2:
_tile_overlayer_lowered:
.L_overlay_start_2:
0x42: {  	(tag) =	ssettag $0x2  }
0x43: {  	s0 =	rddreg [dreg:$0x0];
	s2 =	stileid.u32  }
0x44: {  	s1 =	rddreg [dreg:$0x1];
	p0 =	sne.s32 s2, $0x0  }
0x45: {  	s3 =	rddreg [dreg:$0x2];
	[bflag:$0x3] =	sbarrier.arrive $0xFFFF;
	s2 =	simm.s32 @!p0 $0x1C03  }
0x46: {  	[timem:s3], [sflag:s2] =	dma.local @!p0 [hbm:s0], s1  }
0x47: {  	s0 =	simm.s32 @!p0 $0x3  }
0x48: {  	_ =	swait.ge @!p0 [sflag:s0], s1  }
0x49: {  	s1 =	ssub.s32 @!p0 $0x0, s1;
	[sflag:s0] =	ssyncset.done @!p0 $0x0  }
0x4a: {  	[sflag:s0] =	ssyncadd.s32 @!p0 s1  }
0x4b: {  	[bflag:$0x3] =	sbarrier.arrive $0xFFFF  }
0x4c: {  	_ =	shalt  }

</sc_bundles>
